<compile_context>
chip_gen: v7x
topology: tpu7x:2x2x1
jax: 0.10.2.dev20260603
libtpu: 0.0.44.dev20260713+nightly
codegen_flags: <defaults>
</compile_context>

<pallas_src>
import dataclasses
import functools

import jax
import jax.numpy as jnp
from jax import lax
from jax.experimental import pallas as pl
from jax.experimental.pallas import tpu as pltpu
from jax.experimental.pallas import tpu_sc as plsc

N_NODES = 100000
N_PAD = 100352
PAD_ROWS = 784
E_TOTAL = 6400000
CHUNK_ROWS = 16
CHUNK = CHUNK_ROWS * 128
NCHUNKS = E_TOTAL // CHUNK
NTILES = 32
BASE_CH = NCHUNKS // NTILES
EXTRA = NCHUNKS - BASE_CH * NTILES
TILE_SLICE = N_PAD // 16
I16_SLICE = 6400
I16_LAST = N_PAD - 15 * I16_SLICE
EDGE_ROWS = E_TOTAL // 128
HPACK = N_PAD // 2


def _h_body(x_ref, w1_ref, b1_ref, w2_ref, b2_ref, o_ref):
    xv = x_ref[...]
    acc = jnp.zeros_like(xv) + b2_ref[0]
    for k in range(4):
        acc = acc + w2_ref[0, k] * jnp.maximum(xv * w1_ref[k, 0] + b1_ref[k], 0.0)
    o_ref[...] = acc


def _fin_body(ws_ref, s_ref, c_ref, o_ref):
    s = s_ref[0] + s_ref[1]
    c = c_ref[0] + c_ref[1]
    o_ref[...] = (ws_ref[0, 0] * s) / jnp.maximum(c, 1.0)


def _sc_segment_sums(h_flat, ei):
    mesh = plsc.VectorSubcoreMesh(core_axis_name="c", subcore_axis_name="s")
    cp = pltpu.CompilerParams()
    if "needs_layout_passes" in pltpu.CompilerParams.__dataclass_fields__:
        cp = dataclasses.replace(cp, needs_layout_passes=False)

    @functools.partial(
        pl.kernel,
        compiler_params=cp,
        out_type=(
            jax.ShapeDtypeStruct((2, N_PAD), jnp.float32),
            jax.ShapeDtypeStruct((2, N_PAD), jnp.float32),
        ),
        mesh=mesh,
        scratch_types=[
            pltpu.VMEM((N_PAD,), jnp.float32),
            pltpu.VMEM((CHUNK,), jnp.int32),
            pltpu.VMEM((CHUNK,), jnp.int32),
            pltpu.VMEM((CHUNK,), jnp.int32),
            pltpu.VMEM((CHUNK,), jnp.int32),
            pltpu.VMEM((CHUNK,), jnp.float32),
            pltpu.VMEM((CHUNK,), jnp.float32),
            pltpu.VMEM((CHUNK,), jnp.float32),
            pltpu.VMEM((2048,), jnp.float32),
            pltpu.VMEM_SHARED((N_PAD,), jnp.float32),
            pltpu.VMEM_SHARED((N_PAD,), jnp.float32),
            pltpu.SemaphoreType.DMA,
            pltpu.SemaphoreType.DMA,
            pltpu.SemaphoreType.DMA,
            pltpu.SemaphoreType.DMA,
            pltpu.SemaphoreType.DMA,
            pltpu.SemaphoreType.DMA,
            pltpu.SemaphoreType.DMA,
        ],
    )
    def k(h_hbm, ei_hbm, sums_out, cnt_out,
          h_v, sidx0, sidx1, didx0, didx1, vals0, vals1, ones, zbuf,
          sums_sh, cnt_sh, hsem, is0, is1, id0, id1, sc0, sc1):
        cid = lax.axis_index("c")
        sid = lax.axis_index("s")
        wid = sid * 2 + cid
        src_hbm = ei_hbm.at[0]
        dst_hbm = ei_hbm.at[1]

        sidx_b = (sidx0, sidx1)
        didx_b = (didx0, didx1)
        vals_b = (vals0, vals1)
        is_b = (is0, is1)
        id_b = (id0, id1)
        sc_b = (sc0, sc1)

        pltpu.async_copy(h_hbm, h_v, hsem)

        one16 = jnp.zeros((16,), jnp.float32) + 1.0
        zero16 = jnp.zeros((16,), jnp.float32)

        @pl.loop(0, CHUNK, step=16)
        def _(i):
            ones[pl.ds(i, 16)] = one16

        @pl.loop(0, 2048, step=16)
        def _(i):
            zbuf[pl.ds(i, 16)] = zero16

        @pl.loop(0, 3)
        def _(j):
            off = sid * TILE_SLICE + j * 2048
            pltpu.sync_copy(zbuf, sums_sh.at[pl.ds(off, 2048)])
            pltpu.sync_copy(zbuf, cnt_sh.at[pl.ds(off, 2048)])
        tail = sid * TILE_SLICE + 3 * 2048
        pltpu.sync_copy(zbuf.at[pl.ds(0, 128)], sums_sh.at[pl.ds(tail, 128)])
        pltpu.sync_copy(zbuf.at[pl.ds(0, 128)], cnt_sh.at[pl.ds(tail, 128)])
        pltpu.make_async_copy(h_hbm, h_v, hsem).wait()
        plsc.subcore_barrier()

        nch = BASE_CH + jnp.where(wid < EXTRA, 1, 0)
        base = wid * BASE_CH + jnp.minimum(wid, EXTRA)

        pltpu.async_copy(src_hbm.at[pl.ds(base * CHUNK, CHUNK)], sidx0, is0)

        @pl.loop(0, (BASE_CH + 2) // 2)
        def _(g2):
            for b in range(2):
                sidx, didx, vals = sidx_b[b], didx_b[b], vals_b[b]
                isem, idsem, scsem = is_b[b], id_b[b], sc_b[b]
                ch = g2 * 2 + b

                @pl.when(ch < nch)
                def _():
                    e0 = (base + ch) * CHUNK
                    pltpu.make_async_copy(
                        src_hbm.at[pl.ds(e0, CHUNK)], sidx, isem).wait()

                    @pl.when(ch >= 2)
                    def _():
                        pltpu.make_async_copy(
                            vals, sums_sh.at[didx], scsem).wait()
                        pltpu.make_async_copy(
                            ones, cnt_sh.at[didx], scsem).wait()

                    pltpu.async_copy(
                        dst_hbm.at[pl.ds(e0, CHUNK)], didx, idsem)

                    @pl.when(ch + 1 < nch)
                    def _():
                        e1 = (base + ch + 1) * CHUNK
                        pltpu.async_copy(
                            src_hbm.at[pl.ds(e1, CHUNK)],
                            sidx_b[1 - b], is_b[1 - b])

                    @pl.loop(0, CHUNK, step=16)
                    def _(i):
                        iv = sidx[pl.ds(i, 16)]
                        vals[pl.ds(i, 16)] = plsc.load_gather(h_v, [iv])

                    pltpu.make_async_copy(
                        dst_hbm.at[pl.ds(e0, CHUNK)], didx, idsem).wait()

                    pltpu.async_copy(vals, sums_sh.at[didx], scsem, add=True)
                    pltpu.async_copy(ones, cnt_sh.at[didx], scsem, add=True)

        for b in range(2):
            pltpu.make_async_copy(
                vals_b[b], sums_sh.at[didx_b[b]], sc_b[b]).wait()
            pltpu.make_async_copy(
                ones, cnt_sh.at[didx_b[b]], sc_b[b]).wait()

        plsc.subcore_barrier()

        sl = pl.ds(sid * TILE_SLICE, TILE_SLICE)
        pltpu.sync_copy(sums_sh.at[sl], sums_out.at[cid].at[sl])
        pltpu.sync_copy(cnt_sh.at[sl], cnt_out.at[cid].at[sl])

    return k(h_flat, ei)


def kernel(x, edge_index, W1, b1, W2, b2, Wsage):
    x = x.astype(jnp.float32)
    ei = edge_index.astype(jnp.int32)

    x2d = jnp.pad(x.reshape(-1), (0, N_PAD - N_NODES)).reshape(PAD_ROWS, 128)
    h2d = pl.pallas_call(
        _h_body,
        out_shape=jax.ShapeDtypeStruct((PAD_ROWS, 128), jnp.float32),
        in_specs=[
            pl.BlockSpec(memory_space=pltpu.VMEM),
            pl.BlockSpec(memory_space=pltpu.SMEM),
            pl.BlockSpec(memory_space=pltpu.SMEM),
            pl.BlockSpec(memory_space=pltpu.SMEM),
            pl.BlockSpec(memory_space=pltpu.SMEM),
        ],
        out_specs=pl.BlockSpec(memory_space=pltpu.VMEM),
    )(x2d, W1, b1, W2, b2)

    sums, cnt = _sc_segment_sums(h2d.reshape(N_PAD), ei)

    out2d = pl.pallas_call(
        _fin_body,
        out_shape=jax.ShapeDtypeStruct((PAD_ROWS, 128), jnp.float32),
        in_specs=[
            pl.BlockSpec(memory_space=pltpu.SMEM),
            pl.BlockSpec(memory_space=pltpu.VMEM),
            pl.BlockSpec(memory_space=pltpu.VMEM),
        ],
        out_specs=pl.BlockSpec(memory_space=pltpu.VMEM),
    )(Wsage, sums.reshape(2, PAD_ROWS, 128), cnt.reshape(2, PAD_ROWS, 128))

    return out2d.reshape(N_PAD)[:N_NODES].reshape(N_NODES, 1)

# --- scband reference (transcript-rebuilt; emitter-appended) ---
"""Pipeline reference for scband-gcn-52415780880448 (READ-ONLY COPY).

The authoritative reference and input builder live on the scoring server;
editing this copy changes nothing except your own understanding.
"""

import jax, jax.numpy as jnp
import numpy as np

N_NODES = 100000
N_EDGES = 6400000

def setup_inputs(seed: int = 0) -> dict:
    key = jax.random.key(seed)
    k1, k2, k3, k4, k5, k6, k7 = jax.random.split(key, 7)
    x = jax.random.normal(k1, (N_NODES, 1), dtype=jnp.float32)
    edge_index = jax.random.randint(k2, (2, N_EDGES), 0, N_NODES, dtype=jnp.int64)
    # PyTorch Linear weights are (out_features, in_features)
    W1 = jax.random.normal(k3, (4, 1), dtype=jnp.float32)
    b1 = jax.random.normal(k4, (4,), dtype=jnp.float32)
    W2 = jax.random.normal(k5, (1, 4), dtype=jnp.float32)
    b2 = jax.random.normal(k6, (1,), dtype=jnp.float32)
    Wsage = jax.random.normal(k7, (1, 1), dtype=jnp.float32)
    return {"x": x, "edge_index": edge_index, "W1": W1, "b1": b1, "W2": W2, "b2": b2, "Wsage": Wsage}

def reference(x, edge_index, W1, b1, W2, b2, Wsage):
    # lin1 + relu
    h = jax.nn.relu(x @ W1.T + b1)
    # lin2
    h = h @ W2.T + b2
    # SAGEConv(mean aggr, root_weight=False, bias=False):
    # out_i = W_sage @ mean_{j in N(i)} h_j
    src = edge_index[0]
    dst = edge_index[1]
    msgs = jnp.take(h, src, axis=0)  # gather [E, 1]
    sums = jax.ops.segment_sum(msgs, dst, num_segments=N_NODES)
    cnt = jax.ops.segment_sum(jnp.ones((msgs.shape[0], 1), dtype=jnp.float32), dst, num_segments=N_NODES)
    mean = sums / jnp.maximum(cnt, 1.0)
    out = mean @ Wsage.T
    return out

if __name__ == "__main__":
    import jax
    _d = setup_inputs()
    print(jax.jit(kernel)(*tuple(_d.values())))

</pallas_src>

<mosaic_0001>
#map = affine_map<(d0, d1) -> (0)>
#map1 = affine_map<(d0, d1) -> (0, 0)>
module attributes {stable_mosaic.version = 14 : i64} {
  func.func @k(%arg0: i32, %arg1: i32, %arg2: memref<100352xf32, #tpu.memory_space<hbm>>, %arg3: memref<2x6400000xi32, #tpu.memory_space<hbm>>, %arg4: memref<2x100352xf32, #tpu.memory_space<hbm>>, %arg5: memref<2x100352xf32, #tpu.memory_space<hbm>>, %arg6: memref<100352xf32, #tpu.memory_space<vmem>>, %arg7: memref<2048xi32, #tpu.memory_space<vmem>>, %arg8: memref<2048xi32, #tpu.memory_space<vmem>>, %arg9: memref<2048xi32, #tpu.memory_space<vmem>>, %arg10: memref<2048xi32, #tpu.memory_space<vmem>>, %arg11: memref<2048xf32, #tpu.memory_space<vmem>>, %arg12: memref<2048xf32, #tpu.memory_space<vmem>>, %arg13: memref<2048xf32, #tpu.memory_space<vmem>>, %arg14: memref<2048xf32, #tpu.memory_space<vmem>>, %arg15: memref<100352xf32, #tpu.memory_space<vmem_shared>>, %arg16: memref<100352xf32, #tpu.memory_space<vmem_shared>>, %arg17: memref<!tpu.dma_semaphore, #tpu.memory_space<semaphore_mem>>, %arg18: memref<!tpu.dma_semaphore, #tpu.memory_space<semaphore_mem>>, %arg19: memref<!tpu.dma_semaphore, #tpu.memory_space<semaphore_mem>>, %arg20: memref<!tpu.dma_semaphore, #tpu.memory_space<semaphore_mem>>, %arg21: memref<!tpu.dma_semaphore, #tpu.memory_space<semaphore_mem>>, %arg22: memref<!tpu.dma_semaphore, #tpu.memory_space<semaphore_mem>>, %arg23: memref<!tpu.dma_semaphore, #tpu.memory_space<semaphore_mem>>) attributes {dimension_semantics = [#tpu.dimension_semantics<core_parallel>, #tpu.dimension_semantics<subcore_parallel>], iteration_bounds = array<i64: 2, 16>, scalar_prefetch = 0 : i64, scratch_operands = 18 : i64, tpu.core_type = #tpu.core_type<sc_vector_subcore>, window_params = [{transform_indices = #map}, {transform_indices = #map1}, {transform_indices = #map1}, {transform_indices = #map1}]} {
    %mul3A = arith.constant 2 : i32
    %mul3A_0 = arith.muli %arg1, %mul3A : i32
    %add3A = arith.addi %mul3A_0, %arg0 : i32
    tpu.enqueue_dma source(%arg2 : memref<100352xf32, #tpu.memory_space<hbm>>) target(%arg6 : memref<100352xf32, #tpu.memory_space<vmem>>) target_semaphore(%arg17 : memref<!tpu.dma_semaphore, #tpu.memory_space<semaphore_mem>>)
    %broadcast_in_dim3A = arith.constant 0.000000e+00 : f32
    %broadcast_in_dim3A_1 = vector.broadcast %broadcast_in_dim3A : f32 to vector<16xf32>
    %add3A_2 = arith.constant 1.000000e+00 : f32
    %add3A_3 = vector.broadcast %add3A_2 : f32 to vector<16xf32>
    %add3A_4 = arith.addf %broadcast_in_dim3A_1, %add3A_3 : vector<16xf32>
    %broadcast_in_dim3A_5 = arith.constant 0.000000e+00 : f32
    %broadcast_in_dim3A_6 = vector.broadcast %broadcast_in_dim3A_5 : f32 to vector<16xf32>
    %scan3A = arith.constant 0 : i32
    %scan3A_7 = arith.constant 128 : i32
    %scan3A_8 = arith.addi %scan3A, %scan3A_7 : i32
    %scan3A_9 = arith.constant 1 : i32
    scf.for %scan3A_60 = %scan3A to %scan3A_8 step %scan3A_9  : i32 {
      %mul3A_61 = arith.constant 16 : i32
      %mul3A_62 = arith.muli %scan3A_60, %mul3A_61 : i32
      %add3A_63 = arith.constant 0 : i32
      %add3A_64 = arith.addi %add3A_63, %mul3A_62 : i32
      %swap3A = arith.index_cast %add3A_64 : i32 to index
      %swap3A_65 = tpu.vector_load %arg13[%swap3A] {strides = array<i32>} : memref<2048xf32, #tpu.memory_space<vmem>>, vector<16xf32>,
      tpu.vector_store %arg13[%swap3A], %add3A_4 {strides = array<i32>} : memref<2048xf32, #tpu.memory_space<vmem>>, vector<16xf32>,
    }
    %scan3A_10 = arith.constant 128 : i32
    %scan3A_11 = arith.constant 0 : i32
    %scan3A_12 = arith.constant 128 : i32
    %scan3A_13 = arith.addi %scan3A_11, %scan3A_12 : i32
    %scan3A_14 = arith.constant 1 : i32
    scf.for %scan3A_60 = %scan3A_11 to %scan3A_13 step %scan3A_14  : i32 {
      %mul3A_61 = arith.constant 16 : i32
      %mul3A_62 = arith.muli %scan3A_60, %mul3A_61 : i32
      %add3A_63 = arith.constant 0 : i32
      %add3A_64 = arith.addi %add3A_63, %mul3A_62 : i32
      %swap3A = arith.index_cast %add3A_64 : i32 to index
      %swap3A_65 = tpu.vector_load %arg14[%swap3A] {strides = array<i32>} : memref<2048xf32, #tpu.memory_space<vmem>>, vector<16xf32>,
      tpu.vector_store %arg14[%swap3A], %broadcast_in_dim3A_6 {strides = array<i32>} : memref<2048xf32, #tpu.memory_space<vmem>>, vector<16xf32>,
    }
    %scan3A_15 = arith.constant 128 : i32
    %scan3A_16 = arith.constant 0 : i32
    %scan3A_17 = arith.constant 3 : i32
    %scan3A_18 = arith.addi %scan3A_16, %scan3A_17 : i32
    %scan3A_19 = arith.constant 1 : i32
    scf.for %scan3A_60 = %scan3A_16 to %scan3A_18 step %scan3A_19  : i32 {
      %mul3A_61 = arith.constant 1 : i32
      %mul3A_62 = arith.muli %scan3A_60, %mul3A_61 : i32
      %add3A_63 = arith.constant 0 : i32
      %add3A_64 = arith.addi %add3A_63, %mul3A_62 : i32
      %mul3A_65 = arith.constant 6272 : i32
      %mul3A_66 = arith.muli %arg1, %mul3A_65 : i32
      %mul3A_67 = arith.constant 2048 : i32
      %mul3A_68 = arith.muli %add3A_64, %mul3A_67 : i32
      %add3A_69 = arith.addi %mul3A_66, %mul3A_68 : i32
      "tpu.region"() ({
        %run_scoped3A = tpu.sem_alloc : memref<!tpu.dma_semaphore, #tpu.memory_space<semaphore_mem>>
        %dma_start3A_70 = tpu.memref_slice %arg15[%add3A_69] : memref<100352xf32, #tpu.memory_space<vmem_shared>> -> memref<2048xf32, #tpu.memory_space<vmem_shared>>
        %dma_start3A_71 = tpu.memref_slice %arg15[%add3A_69] : memref<100352xf32, #tpu.memory_space<vmem_shared>> -> memref<2048xf32, #tpu.memory_space<vmem_shared>>
        tpu.enqueue_dma source(%arg14 : memref<2048xf32, #tpu.memory_space<vmem>>) target(%dma_start3A_71 : memref<2048xf32, #tpu.memory_space<vmem_shared>>) target_semaphore(%run_scoped3A : memref<!tpu.dma_semaphore, #tpu.memory_space<semaphore_mem>>)
        %dma_wait3A_72 = tpu.memref_slice %arg15[%add3A_69] : memref<100352xf32, #tpu.memory_space<vmem_shared>> -> memref<2048xf32, #tpu.memory_space<vmem_shared>>
        %dma_wait3A_73 = tpu.memref_slice %arg15[%add3A_69] : memref<100352xf32, #tpu.memory_space<vmem_shared>> -> memref<2048xf32, #tpu.memory_space<vmem_shared>>
        tpu.wait_dma2 semaphore(%run_scoped3A : memref<!tpu.dma_semaphore, #tpu.memory_space<semaphore_mem>>) src(%arg14 : memref<2048xf32, #tpu.memory_space<vmem>>) dst(%dma_wait3A_73 : memref<2048xf32, #tpu.memory_space<vmem_shared>>)
        tpu.yield
      }) : () -> ()
      "tpu.region"() ({
        %run_scoped3A = tpu.sem_alloc : memref<!tpu.dma_semaphore, #tpu.memory_space<semaphore_mem>>
        %dma_start3A_70 = tpu.memref_slice %arg16[%add3A_69] : memref<100352xf32, #tpu.memory_space<vmem_shared>> -> memref<2048xf32, #tpu.memory_space<vmem_shared>>
        %dma_start3A_71 = tpu.memref_slice %arg16[%add3A_69] : memref<100352xf32, #tpu.memory_space<vmem_shared>> -> memref<2048xf32, #tpu.memory_space<vmem_shared>>
        tpu.enqueue_dma source(%arg14 : memref<2048xf32, #tpu.memory_space<vmem>>) target(%dma_start3A_71 : memref<2048xf32, #tpu.memory_space<vmem_shared>>) target_semaphore(%run_scoped3A : memref<!tpu.dma_semaphore, #tpu.memory_space<semaphore_mem>>)
        %dma_wait3A_72 = tpu.memref_slice %arg16[%add3A_69] : memref<100352xf32, #tpu.memory_space<vmem_shared>> -> memref<2048xf32, #tpu.memory_space<vmem_shared>>
        %dma_wait3A_73 = tpu.memref_slice %arg16[%add3A_69] : memref<100352xf32, #tpu.memory_space<vmem_shared>> -> memref<2048xf32, #tpu.memory_space<vmem_shared>>
        tpu.wait_dma2 semaphore(%run_scoped3A : memref<!tpu.dma_semaphore, #tpu.memory_space<semaphore_mem>>) src(%arg14 : memref<2048xf32, #tpu.memory_space<vmem>>) dst(%dma_wait3A_73 : memref<2048xf32, #tpu.memory_space<vmem_shared>>)
        tpu.yield
      }) : () -> ()
    }
    %scan3A_20 = arith.constant 3 : i32
    %mul3A_21 = arith.constant 6272 : i32
    %mul3A_22 = arith.muli %arg1, %mul3A_21 : i32
    %add3A_23 = arith.constant 6144 : i32
    %add3A_24 = arith.addi %mul3A_22, %add3A_23 : i32
    "tpu.region"() ({
      %run_scoped3A = tpu.sem_alloc : memref<!tpu.dma_semaphore, #tpu.memory_space<semaphore_mem>>
      %dma_start3A_60 = arith.constant 0 : i32
      %dma_start3A_61 = tpu.memref_slice %arg14[%dma_start3A_60] : memref<2048xf32, #tpu.memory_space<vmem>> -> memref<128xf32, #tpu.memory_space<vmem>>
      %dma_start3A_62 = tpu.memref_slice %arg15[%add3A_24] : memref<100352xf32, #tpu.memory_space<vmem_shared>> -> memref<128xf32, #tpu.memory_space<vmem_shared>>
      %dma_start3A_63 = tpu.memref_slice %arg15[%add3A_24] : memref<100352xf32, #tpu.memory_space<vmem_shared>> -> memref<128xf32, #tpu.memory_space<vmem_shared>>
      %dma_start3A_64 = arith.constant 0 : i32
      %dma_start3A_65 = tpu.memref_slice %arg14[%dma_start3A_64] : memref<2048xf32, #tpu.memory_space<vmem>> -> memref<128xf32, #tpu.memory_space<vmem>>
      tpu.enqueue_dma source(%dma_start3A_65 : memref<128xf32, #tpu.memory_space<vmem>>) target(%dma_start3A_63 : memref<128xf32, #tpu.memory_space<vmem_shared>>) target_semaphore(%run_scoped3A : memref<!tpu.dma_semaphore, #tpu.memory_space<semaphore_mem>>)
      %dma_wait3A_66 = arith.constant 0 : i32
      %dma_wait3A_67 = tpu.memref_slice %arg14[%dma_wait3A_66] : memref<2048xf32, #tpu.memory_space<vmem>> -> memref<128xf32, #tpu.memory_space<vmem>>
      %dma_wait3A_68 = tpu.memref_slice %arg15[%add3A_24] : memref<100352xf32, #tpu.memory_space<vmem_shared>> -> memref<128xf32, #tpu.memory_space<vmem_shared>>
      %dma_wait3A_69 = tpu.memref_slice %arg15[%add3A_24] : memref<100352xf32, #tpu.memory_space<vmem_shared>> -> memref<128xf32, #tpu.memory_space<vmem_shared>>
      %dma_wait3A_70 = arith.constant 0 : i32
      %dma_wait3A_71 = tpu.memref_slice %arg14[%dma_wait3A_70] : memref<2048xf32, #tpu.memory_space<vmem>> -> memref<128xf32, #tpu.memory_space<vmem>>
      tpu.wait_dma2 semaphore(%run_scoped3A : memref<!tpu.dma_semaphore, #tpu.memory_space<semaphore_mem>>) src(%dma_wait3A_71 : memref<128xf32, #tpu.memory_space<vmem>>) dst(%dma_wait3A_69 : memref<128xf32, #tpu.memory_space<vmem_shared>>)
      tpu.yield
    }) : () -> ()
    "tpu.region"() ({
      %run_scoped3A = tpu.sem_alloc : memref<!tpu.dma_semaphore, #tpu.memory_space<semaphore_mem>>
      %dma_start3A_60 = arith.constant 0 : i32
      %dma_start3A_61 = tpu.memref_slice %arg14[%dma_start3A_60] : memref<2048xf32, #tpu.memory_space<vmem>> -> memref<128xf32, #tpu.memory_space<vmem>>
      %dma_start3A_62 = tpu.memref_slice %arg16[%add3A_24] : memref<100352xf32, #tpu.memory_space<vmem_shared>> -> memref<128xf32, #tpu.memory_space<vmem_shared>>
      %dma_start3A_63 = tpu.memref_slice %arg16[%add3A_24] : memref<100352xf32, #tpu.memory_space<vmem_shared>> -> memref<128xf32, #tpu.memory_space<vmem_shared>>
      %dma_start3A_64 = arith.constant 0 : i32
      %dma_start3A_65 = tpu.memref_slice %arg14[%dma_start3A_64] : memref<2048xf32, #tpu.memory_space<vmem>> -> memref<128xf32, #tpu.memory_space<vmem>>
      tpu.enqueue_dma source(%dma_start3A_65 : memref<128xf32, #tpu.memory_space<vmem>>) target(%dma_start3A_63 : memref<128xf32, #tpu.memory_space<vmem_shared>>) target_semaphore(%run_scoped3A : memref<!tpu.dma_semaphore, #tpu.memory_space<semaphore_mem>>)
      %dma_wait3A_66 = arith.constant 0 : i32
      %dma_wait3A_67 = tpu.memref_slice %arg14[%dma_wait3A_66] : memref<2048xf32, #tpu.memory_space<vmem>> -> memref<128xf32, #tpu.memory_space<vmem>>
      %dma_wait3A_68 = tpu.memref_slice %arg16[%add3A_24] : memref<100352xf32, #tpu.memory_space<vmem_shared>> -> memref<128xf32, #tpu.memory_space<vmem_shared>>
      %dma_wait3A_69 = tpu.memref_slice %arg16[%add3A_24] : memref<100352xf32, #tpu.memory_space<vmem_shared>> -> memref<128xf32, #tpu.memory_space<vmem_shared>>
      %dma_wait3A_70 = arith.constant 0 : i32
      %dma_wait3A_71 = tpu.memref_slice %arg14[%dma_wait3A_70] : memref<2048xf32, #tpu.memory_space<vmem>> -> memref<128xf32, #tpu.memory_space<vmem>>
      tpu.wait_dma2 semaphore(%run_scoped3A : memref<!tpu.dma_semaphore, #tpu.memory_space<semaphore_mem>>) src(%dma_wait3A_71 : memref<128xf32, #tpu.memory_space<vmem>>) dst(%dma_wait3A_69 : memref<128xf32, #tpu.memory_space<vmem_shared>>)
      tpu.yield
    }) : () -> ()
    tpu.wait_dma2 semaphore(%arg17 : memref<!tpu.dma_semaphore, #tpu.memory_space<semaphore_mem>>) src(%arg2 : memref<100352xf32, #tpu.memory_space<hbm>>) dst(%arg6 : memref<100352xf32, #tpu.memory_space<vmem>>)
    %barrier3A = arith.constant 0 : index
    tpu.barrier barrier_id(%barrier3A)
    %lt3A = arith.constant 21 : i32
    %lt3A_25 = arith.cmpi slt, %add3A, %lt3A : i32
    %jit3A = arith.constant 1 : i32
    %jit3A_26 = arith.constant 0 : i32
    %select_n3A = arith.select %lt3A_25, %jit3A, %jit3A_26 : i32
    %add3A_27 = arith.constant 97 : i32
    %add3A_28 = arith.addi %add3A_27, %select_n3A : i32
    %mul3A_29 = arith.constant 97 : i32
    %mul3A_30 = arith.muli %add3A, %mul3A_29 : i32
    %min3A = arith.constant 21 : i32
    %min3A_31 = arith.minsi %add3A, %min3A : i32
    %add3A_32 = arith.addi %mul3A_30, %min3A_31 : i32
    %mul3A_33 = arith.constant 2048 : i32
    %mul3A_34 = arith.muli %add3A_32, %mul3A_33 : i32
    %dma_start3A = arith.constant 0 : i32
    %dma_start3A_35 = arith.constant 0 : i32
    %dma_start3A_36 = tpu.memref_slice %arg3[%dma_start3A, %dma_start3A_35] : memref<2x6400000xi32, #tpu.memory_space<hbm>> -> memref<1x6400000xi32, #tpu.memory_space<hbm>>
    %dma_start3A_37 = tpu.memref_squeeze %dma_start3A_36 : memref<1x6400000xi32, #tpu.memory_space<hbm>> -> memref<6400000xi32, #tpu.memory_space<hbm>>
    %dma_start3A_38 = tpu.memref_slice %dma_start3A_37[%mul3A_34] : memref<6400000xi32, #tpu.memory_space<hbm>> -> memref<2048xi32, #tpu.memory_space<hbm>>
    %dma_start3A_39 = arith.constant 0 : i32
    %dma_start3A_40 = tpu.memref_slice %arg3[%dma_start3A, %dma_start3A_39] : memref<2x6400000xi32, #tpu.memory_space<hbm>> -> memref<1x6400000xi32, #tpu.memory_space<hbm>>
    %dma_start3A_41 = tpu.memref_squeeze %dma_start3A_40 : memref<1x6400000xi32, #tpu.memory_space<hbm>> -> memref<6400000xi32, #tpu.memory_space<hbm>>
    %dma_start3A_42 = tpu.memref_slice %dma_start3A_41[%mul3A_34] : memref<6400000xi32, #tpu.memory_space<hbm>> -> memref<2048xi32, #tpu.memory_space<hbm>>
    tpu.enqueue_dma source(%dma_start3A_42 : memref<2048xi32, #tpu.memory_space<hbm>>) target(%arg7 : memref<2048xi32, #tpu.memory_space<vmem>>) target_semaphore(%arg18 : memref<!tpu.dma_semaphore, #tpu.memory_space<semaphore_mem>>)
    %scan3A_43 = arith.constant 0 : i32
    %scan3A_44 = arith.constant 1 : i32
    %scan3A_45 = arith.constant 0 : i32
    %scan3A_46 = arith.constant 49 : i32
    %scan3A_47 = arith.addi %scan3A_45, %scan3A_46 : i32
    %scan3A_48 = arith.constant 1 : i32
    scf.for %scan3A_60 = %scan3A_45 to %scan3A_47 step %scan3A_48  : i32 {
      %mul3A_61 = arith.constant 1 : i32
      %mul3A_62 = arith.muli %scan3A_60, %mul3A_61 : i32
      %add3A_63 = arith.constant 0 : i32
      %add3A_64 = arith.addi %add3A_63, %mul3A_62 : i32
      %mul3A_65 = arith.constant 2 : i32
      %mul3A_66 = arith.muli %add3A_64, %mul3A_65 : i32
      %add3A_67 = arith.constant 0 : i32
      %add3A_68 = arith.addi %mul3A_66, %add3A_67 : i32
      %lt3A_69 = arith.cmpi slt, %add3A_68, %add3A_28 : i32
      %convert_element_type3A = arith.extui %lt3A_69 : i1 to i32
      %cond3A = arith.constant 0 : i32
      %cond3A_70 = arith.cmpi ne, %convert_element_type3A, %cond3A : i32
      scf.if %cond3A_70 {
        %add3A_79 = arith.addi %add3A_32, %add3A_68 : i32
        %mul3A_80 = arith.constant 2048 : i32
        %mul3A_81 = arith.muli %add3A_79, %mul3A_80 : i32
        %dma_wait3A_82 = arith.constant 0 : i32
        %dma_wait3A_83 = tpu.memref_slice %arg3[%scan3A_43, %dma_wait3A_82] : memref<2x6400000xi32, #tpu.memory_space<hbm>> -> memref<1x6400000xi32, #tpu.memory_space<hbm>>
        %dma_wait3A_84 = tpu.memref_squeeze %dma_wait3A_83 : memref<1x6400000xi32, #tpu.memory_space<hbm>> -> memref<6400000xi32, #tpu.memory_space<hbm>>
        %dma_wait3A_85 = tpu.memref_slice %dma_wait3A_84[%mul3A_81] : memref<6400000xi32, #tpu.memory_space<hbm>> -> memref<2048xi32, #tpu.memory_space<hbm>>
        %dma_wait3A_86 = arith.constant 0 : i32
        %dma_wait3A_87 = tpu.memref_slice %arg3[%scan3A_43, %dma_wait3A_86] : memref<2x6400000xi32, #tpu.memory_space<hbm>> -> memref<1x6400000xi32, #tpu.memory_space<hbm>>
        %dma_wait3A_88 = tpu.memref_squeeze %dma_wait3A_87 : memref<1x6400000xi32, #tpu.memory_space<hbm>> -> memref<6400000xi32, #tpu.memory_space<hbm>>
        %dma_wait3A_89 = tpu.memref_slice %dma_wait3A_88[%mul3A_81] : memref<6400000xi32, #tpu.memory_space<hbm>> -> memref<2048xi32, #tpu.memory_space<hbm>>
        tpu.wait_dma2 semaphore(%arg18 : memref<!tpu.dma_semaphore, #tpu.memory_space<semaphore_mem>>) src(%dma_wait3A_89 : memref<2048xi32, #tpu.memory_space<hbm>>) dst(%arg7 : memref<2048xi32, #tpu.memory_space<vmem>>)
        %ge3A = arith.constant 2 : i32
        %ge3A_90 = arith.cmpi sge, %add3A_68, %ge3A : i32
        %convert_element_type3A_91 = arith.extui %ge3A_90 : i1 to i32
        %cond3A_92 = arith.constant 0 : i32
        %cond3A_93 = arith.cmpi ne, %convert_element_type3A_91, %cond3A_92 : i32
        scf.if %cond3A_93 {
          %dma_wait3A_125 = arith.constant 0 : i32
          %dma_wait3A_126 = tpu.memref_slice %arg15[%dma_wait3A_125] : memref<100352xf32, #tpu.memory_space<vmem_shared>> -> memref<100352xf32, #tpu.memory_space<vmem_shared>>
          tpu.wait_indirect_dma semaphore(%arg22 : memref<!tpu.dma_semaphore, #tpu.memory_space<semaphore_mem>>) src(%arg11 : memref<2048xf32, #tpu.memory_space<vmem>>) dst(%dma_wait3A_126 : memref<100352xf32, #tpu.memory_space<vmem_shared>>)
          %dma_wait3A_127 = arith.constant 0 : i32
          %dma_wait3A_128 = tpu.memref_slice %arg16[%dma_wait3A_127] : memref<100352xf32, #tpu.memory_space<vmem_shared>> -> memref<100352xf32, #tpu.memory_space<vmem_shared>>
          tpu.wait_indirect_dma semaphore(%arg22 : memref<!tpu.dma_semaphore, #tpu.memory_space<semaphore_mem>>) src(%arg13 : memref<2048xf32, #tpu.memory_space<vmem>>) dst(%dma_wait3A_128 : memref<100352xf32, #tpu.memory_space<vmem_shared>>)
        } else {
        }
        %dma_start3A_94 = arith.constant 0 : i32
        %dma_start3A_95 = tpu.memref_slice %arg3[%scan3A_44, %dma_start3A_94] : memref<2x6400000xi32, #tpu.memory_space<hbm>> -> memref<1x6400000xi32, #tpu.memory_space<hbm>>
        %dma_start3A_96 = tpu.memref_squeeze %dma_start3A_95 : memref<1x6400000xi32, #tpu.memory_space<hbm>> -> memref<6400000xi32, #tpu.memory_space<hbm>>
        %dma_start3A_97 = tpu.memref_slice %dma_start3A_96[%mul3A_81] : memref<6400000xi32, #tpu.memory_space<hbm>> -> memref<2048xi32, #tpu.memory_space<hbm>>
        %dma_start3A_98 = arith.constant 0 : i32
        %dma_start3A_99 = tpu.memref_slice %arg3[%scan3A_44, %dma_start3A_98] : memref<2x6400000xi32, #tpu.memory_space<hbm>> -> memref<1x6400000xi32, #tpu.memory_space<hbm>>
        %dma_start3A_100 = tpu.memref_squeeze %dma_start3A_99 : memref<1x6400000xi32, #tpu.memory_space<hbm>> -> memref<6400000xi32, #tpu.memory_space<hbm>>
        %dma_start3A_101 = tpu.memref_slice %dma_start3A_100[%mul3A_81] : memref<6400000xi32, #tpu.memory_space<hbm>> -> memref<2048xi32, #tpu.memory_space<hbm>>
        tpu.enqueue_dma source(%dma_start3A_101 : memref<2048xi32, #tpu.memory_space<hbm>>) target(%arg9 : memref<2048xi32, #tpu.memory_space<vmem>>) target_semaphore(%arg20 : memref<!tpu.dma_semaphore, #tpu.memory_space<semaphore_mem>>)
        %add3A_102 = arith.constant 1 : i32
        %add3A_103 = arith.addi %add3A_68, %add3A_102 : i32
        %lt3A_104 = arith.cmpi slt, %add3A_103, %add3A_28 : i32
        %convert_element_type3A_105 = arith.extui %lt3A_104 : i1 to i32
        %cond3A_106 = arith.constant 0 : i32
        %cond3A_107 = arith.cmpi ne, %convert_element_type3A_105, %cond3A_106 : i32
        scf.if %cond3A_107 {
          %add3A_125 = arith.addi %add3A_32, %add3A_68 : i32
          %add3A_126 = arith.constant 1 : i32
          %add3A_127 = arith.addi %add3A_125, %add3A_126 : i32
          %mul3A_128 = arith.constant 2048 : i32
          %mul3A_129 = arith.muli %add3A_127, %mul3A_128 : i32
          %dma_start3A_130 = arith.constant 0 : i32
          %dma_start3A_131 = tpu.memref_slice %arg3[%scan3A_43, %dma_start3A_130] : memref<2x6400000xi32, #tpu.memory_space<hbm>> -> memref<1x6400000xi32, #tpu.memory_space<hbm>>
          %dma_start3A_132 = tpu.memref_squeeze %dma_start3A_131 : memref<1x6400000xi32, #tpu.memory_space<hbm>> -> memref<6400000xi32, #tpu.memory_space<hbm>>
          %dma_start3A_133 = tpu.memref_slice %dma_start3A_132[%mul3A_129] : memref<6400000xi32, #tpu.memory_space<hbm>> -> memref<2048xi32, #tpu.memory_space<hbm>>
          %dma_start3A_134 = arith.constant 0 : i32
          %dma_start3A_135 = tpu.memref_slice %arg3[%scan3A_43, %dma_start3A_134] : memref<2x6400000xi32, #tpu.memory_space<hbm>> -> memref<1x6400000xi32, #tpu.memory_space<hbm>>
          %dma_start3A_136 = tpu.memref_squeeze %dma_start3A_135 : memref<1x6400000xi32, #tpu.memory_space<hbm>> -> memref<6400000xi32, #tpu.memory_space<hbm>>
          %dma_start3A_137 = tpu.memref_slice %dma_start3A_136[%mul3A_129] : memref<6400000xi32, #tpu.memory_space<hbm>> -> memref<2048xi32, #tpu.memory_space<hbm>>
          tpu.enqueue_dma source(%dma_start3A_137 : memref<2048xi32, #tpu.memory_space<hbm>>) target(%arg8 : memref<2048xi32, #tpu.memory_space<vmem>>) target_semaphore(%arg19 : memref<!tpu.dma_semaphore, #tpu.memory_space<semaphore_mem>>)
        } else {
        }
        %scan3A_108 = arith.constant 0 : i32
        %scan3A_109 = arith.constant 128 : i32
        %scan3A_110 = arith.addi %scan3A_108, %scan3A_109 : i32
        %scan3A_111 = arith.constant 1 : i32
        scf.for %scan3A_125 = %scan3A_108 to %scan3A_110 step %scan3A_111  : i32 {
          %mul3A_126 = arith.constant 16 : i32
          %mul3A_127 = arith.muli %scan3A_125, %mul3A_126 : i32
          %add3A_128 = arith.constant 0 : i32
          %add3A_129 = arith.addi %add3A_128, %mul3A_127 : i32
          %get3A = arith.index_cast %add3A_129 : i32 to index
          %get3A_130 = tpu.vector_load %arg7[%get3A] {strides = array<i32>} : memref<2048xi32, #tpu.memory_space<vmem>>, vector<16xi32>,
          %gather3A = tpu.vector_load_idx %arg6[%get3A_130] : memref<100352xf32, #tpu.memory_space<vmem>>[vector<16xi32>], vector<16xf32>,
          %swap3A = arith.index_cast %add3A_129 : i32 to index
          %swap3A_131 = tpu.vector_load %arg11[%swap3A] {strides = array<i32>} : memref<2048xf32, #tpu.memory_space<vmem>>, vector<16xf32>,
          tpu.vector_store %arg11[%swap3A], %gather3A {strides = array<i32>} : memref<2048xf32, #tpu.memory_space<vmem>>, vector<16xf32>,
        }
        %scan3A_112 = arith.constant 128 : i32
        %dma_wait3A_113 = arith.constant 0 : i32
        %dma_wait3A_114 = tpu.memref_slice %arg3[%scan3A_44, %dma_wait3A_113] : memref<2x6400000xi32, #tpu.memory_space<hbm>> -> memref<1x6400000xi32, #tpu.memory_space<hbm>>
        %dma_wait3A_115 = tpu.memref_squeeze %dma_wait3A_114 : memref<1x6400000xi32, #tpu.memory_space<hbm>> -> memref<6400000xi32, #tpu.memory_space<hbm>>
        %dma_wait3A_116 = tpu.memref_slice %dma_wait3A_115[%mul3A_81] : memref<6400000xi32, #tpu.memory_space<hbm>> -> memref<2048xi32, #tpu.memory_space<hbm>>
        %dma_wait3A_117 = arith.constant 0 : i32
        %dma_wait3A_118 = tpu.memref_slice %arg3[%scan3A_44, %dma_wait3A_117] : memref<2x6400000xi32, #tpu.memory_space<hbm>> -> memref<1x6400000xi32, #tpu.memory_space<hbm>>
        %dma_wait3A_119 = tpu.memref_squeeze %dma_wait3A_118 : memref<1x6400000xi32, #tpu.memory_space<hbm>> -> memref<6400000xi32, #tpu.memory_space<hbm>>
        %dma_wait3A_120 = tpu.memref_slice %dma_wait3A_119[%mul3A_81] : memref<6400000xi32, #tpu.memory_space<hbm>> -> memref<2048xi32, #tpu.memory_space<hbm>>
        tpu.wait_dma2 semaphore(%arg20 : memref<!tpu.dma_semaphore, #tpu.memory_space<semaphore_mem>>) src(%dma_wait3A_120 : memref<2048xi32, #tpu.memory_space<hbm>>) dst(%arg9 : memref<2048xi32, #tpu.memory_space<vmem>>)
        %dma_start3A_121 = arith.constant 0 : i32
        %dma_start3A_122 = tpu.memref_slice %arg15[%dma_start3A_121] : memref<100352xf32, #tpu.memory_space<vmem_shared>> -> memref<100352xf32, #tpu.memory_space<vmem_shared>>
        tpu.enqueue_indirect_dma source(%arg11 : memref<2048xf32, #tpu.memory_space<vmem>>) target(%dma_start3A_122 : memref<100352xf32, #tpu.memory_space<vmem_shared>>) offsets(%arg9 : memref<2048xi32, #tpu.memory_space<vmem>>) semaphore(%arg22 : memref<!tpu.dma_semaphore, #tpu.memory_space<semaphore_mem>>) {add = true}
        %dma_start3A_123 = arith.constant 0 : i32
        %dma_start3A_124 = tpu.memref_slice %arg16[%dma_start3A_123] : memref<100352xf32, #tpu.memory_space<vmem_shared>> -> memref<100352xf32, #tpu.memory_space<vmem_shared>>
        tpu.enqueue_indirect_dma source(%arg13 : memref<2048xf32, #tpu.memory_space<vmem>>) target(%dma_start3A_124 : memref<100352xf32, #tpu.memory_space<vmem_shared>>) offsets(%arg9 : memref<2048xi32, #tpu.memory_space<vmem>>) semaphore(%arg22 : memref<!tpu.dma_semaphore, #tpu.memory_space<semaphore_mem>>) {add = true}
      } else {
      }
      %mul3A_71 = arith.constant 2 : i32
      %mul3A_72 = arith.muli %add3A_64, %mul3A_71 : i32
      %add3A_73 = arith.constant 1 : i32
      %add3A_74 = arith.addi %mul3A_72, %add3A_73 : i32
      %lt3A_75 = arith.cmpi slt, %add3A_74, %add3A_28 : i32
      %convert_element_type3A_76 = arith.extui %lt3A_75 : i1 to i32
      %cond3A_77 = arith.constant 0 : i32
      %cond3A_78 = arith.cmpi ne, %convert_element_type3A_76, %cond3A_77 : i32
      scf.if %cond3A_78 {
        %add3A_79 = arith.addi %add3A_32, %add3A_74 : i32
        %mul3A_80 = arith.constant 2048 : i32
        %mul3A_81 = arith.muli %add3A_79, %mul3A_80 : i32
        %dma_wait3A_82 = arith.constant 0 : i32
        %dma_wait3A_83 = tpu.memref_slice %arg3[%scan3A_43, %dma_wait3A_82] : memref<2x6400000xi32, #tpu.memory_space<hbm>> -> memref<1x6400000xi32, #tpu.memory_space<hbm>>
        %dma_wait3A_84 = tpu.memref_squeeze %dma_wait3A_83 : memref<1x6400000xi32, #tpu.memory_space<hbm>> -> memref<6400000xi32, #tpu.memory_space<hbm>>
        %dma_wait3A_85 = tpu.memref_slice %dma_wait3A_84[%mul3A_81] : memref<6400000xi32, #tpu.memory_space<hbm>> -> memref<2048xi32, #tpu.memory_space<hbm>>
        %dma_wait3A_86 = arith.constant 0 : i32
        %dma_wait3A_87 = tpu.memref_slice %arg3[%scan3A_43, %dma_wait3A_86] : memref<2x6400000xi32, #tpu.memory_space<hbm>> -> memref<1x6400000xi32, #tpu.memory_space<hbm>>
        %dma_wait3A_88 = tpu.memref_squeeze %dma_wait3A_87 : memref<1x6400000xi32, #tpu.memory_space<hbm>> -> memref<6400000xi32, #tpu.memory_space<hbm>>
        %dma_wait3A_89 = tpu.memref_slice %dma_wait3A_88[%mul3A_81] : memref<6400000xi32, #tpu.memory_space<hbm>> -> memref<2048xi32, #tpu.memory_space<hbm>>
        tpu.wait_dma2 semaphore(%arg19 : memref<!tpu.dma_semaphore, #tpu.memory_space<semaphore_mem>>) src(%dma_wait3A_89 : memref<2048xi32, #tpu.memory_space<hbm>>) dst(%arg8 : memref<2048xi32, #tpu.memory_space<vmem>>)
        %ge3A = arith.constant 2 : i32
        %ge3A_90 = arith.cmpi sge, %add3A_74, %ge3A : i32
        %convert_element_type3A_91 = arith.extui %ge3A_90 : i1 to i32
        %cond3A_92 = arith.constant 0 : i32
        %cond3A_93 = arith.cmpi ne, %convert_element_type3A_91, %cond3A_92 : i32
        scf.if %cond3A_93 {
          %dma_wait3A_125 = arith.constant 0 : i32
          %dma_wait3A_126 = tpu.memref_slice %arg15[%dma_wait3A_125] : memref<100352xf32, #tpu.memory_space<vmem_shared>> -> memref<100352xf32, #tpu.memory_space<vmem_shared>>
          tpu.wait_indirect_dma semaphore(%arg23 : memref<!tpu.dma_semaphore, #tpu.memory_space<semaphore_mem>>) src(%arg12 : memref<2048xf32, #tpu.memory_space<vmem>>) dst(%dma_wait3A_126 : memref<100352xf32, #tpu.memory_space<vmem_shared>>)
          %dma_wait3A_127 = arith.constant 0 : i32
          %dma_wait3A_128 = tpu.memref_slice %arg16[%dma_wait3A_127] : memref<100352xf32, #tpu.memory_space<vmem_shared>> -> memref<100352xf32, #tpu.memory_space<vmem_shared>>
          tpu.wait_indirect_dma semaphore(%arg23 : memref<!tpu.dma_semaphore, #tpu.memory_space<semaphore_mem>>) src(%arg13 : memref<2048xf32, #tpu.memory_space<vmem>>) dst(%dma_wait3A_128 : memref<100352xf32, #tpu.memory_space<vmem_shared>>)
        } else {
        }
        %dma_start3A_94 = arith.constant 0 : i32
        %dma_start3A_95 = tpu.memref_slice %arg3[%scan3A_44, %dma_start3A_94] : memref<2x6400000xi32, #tpu.memory_space<hbm>> -> memref<1x6400000xi32, #tpu.memory_space<hbm>>
        %dma_start3A_96 = tpu.memref_squeeze %dma_start3A_95 : memref<1x6400000xi32, #tpu.memory_space<hbm>> -> memref<6400000xi32, #tpu.memory_space<hbm>>
        %dma_start3A_97 = tpu.memref_slice %dma_start3A_96[%mul3A_81] : memref<6400000xi32, #tpu.memory_space<hbm>> -> memref<2048xi32, #tpu.memory_space<hbm>>
        %dma_start3A_98 = arith.constant 0 : i32
        %dma_start3A_99 = tpu.memref_slice %arg3[%scan3A_44, %dma_start3A_98] : memref<2x6400000xi32, #tpu.memory_space<hbm>> -> memref<1x6400000xi32, #tpu.memory_space<hbm>>
        %dma_start3A_100 = tpu.memref_squeeze %dma_start3A_99 : memref<1x6400000xi32, #tpu.memory_space<hbm>> -> memref<6400000xi32, #tpu.memory_space<hbm>>
        %dma_start3A_101 = tpu.memref_slice %dma_start3A_100[%mul3A_81] : memref<6400000xi32, #tpu.memory_space<hbm>> -> memref<2048xi32, #tpu.memory_space<hbm>>
        tpu.enqueue_dma source(%dma_start3A_101 : memref<2048xi32, #tpu.memory_space<hbm>>) target(%arg10 : memref<2048xi32, #tpu.memory_space<vmem>>) target_semaphore(%arg21 : memref<!tpu.dma_semaphore, #tpu.memory_space<semaphore_mem>>)
        %add3A_102 = arith.constant 1 : i32
        %add3A_103 = arith.addi %add3A_74, %add3A_102 : i32
        %lt3A_104 = arith.cmpi slt, %add3A_103, %add3A_28 : i32
        %convert_element_type3A_105 = arith.extui %lt3A_104 : i1 to i32
        %cond3A_106 = arith.constant 0 : i32
        %cond3A_107 = arith.cmpi ne, %convert_element_type3A_105, %cond3A_106 : i32
        scf.if %cond3A_107 {
          %add3A_125 = arith.addi %add3A_32, %add3A_74 : i32
          %add3A_126 = arith.constant 1 : i32
          %add3A_127 = arith.addi %add3A_125, %add3A_126 : i32
          %mul3A_128 = arith.constant 2048 : i32
          %mul3A_129 = arith.muli %add3A_127, %mul3A_128 : i32
          %dma_start3A_130 = arith.constant 0 : i32
          %dma_start3A_131 = tpu.memref_slice %arg3[%scan3A_43, %dma_start3A_130] : memref<2x6400000xi32, #tpu.memory_space<hbm>> -> memref<1x6400000xi32, #tpu.memory_space<hbm>>
          %dma_start3A_132 = tpu.memref_squeeze %dma_start3A_131 : memref<1x6400000xi32, #tpu.memory_space<hbm>> -> memref<6400000xi32, #tpu.memory_space<hbm>>
          %dma_start3A_133 = tpu.memref_slice %dma_start3A_132[%mul3A_129] : memref<6400000xi32, #tpu.memory_space<hbm>> -> memref<2048xi32, #tpu.memory_space<hbm>>
          %dma_start3A_134 = arith.constant 0 : i32
          %dma_start3A_135 = tpu.memref_slice %arg3[%scan3A_43, %dma_start3A_134] : memref<2x6400000xi32, #tpu.memory_space<hbm>> -> memref<1x6400000xi32, #tpu.memory_space<hbm>>
          %dma_start3A_136 = tpu.memref_squeeze %dma_start3A_135 : memref<1x6400000xi32, #tpu.memory_space<hbm>> -> memref<6400000xi32, #tpu.memory_space<hbm>>
          %dma_start3A_137 = tpu.memref_slice %dma_start3A_136[%mul3A_129] : memref<6400000xi32, #tpu.memory_space<hbm>> -> memref<2048xi32, #tpu.memory_space<hbm>>
          tpu.enqueue_dma source(%dma_start3A_137 : memref<2048xi32, #tpu.memory_space<hbm>>) target(%arg7 : memref<2048xi32, #tpu.memory_space<vmem>>) target_semaphore(%arg18 : memref<!tpu.dma_semaphore, #tpu.memory_space<semaphore_mem>>)
        } else {
        }
        %scan3A_108 = arith.constant 0 : i32
        %scan3A_109 = arith.constant 128 : i32
        %scan3A_110 = arith.addi %scan3A_108, %scan3A_109 : i32
        %scan3A_111 = arith.constant 1 : i32
        scf.for %scan3A_125 = %scan3A_108 to %scan3A_110 step %scan3A_111  : i32 {
          %mul3A_126 = arith.constant 16 : i32
          %mul3A_127 = arith.muli %scan3A_125, %mul3A_126 : i32
          %add3A_128 = arith.constant 0 : i32
          %add3A_129 = arith.addi %add3A_128, %mul3A_127 : i32
          %get3A = arith.index_cast %add3A_129 : i32 to index
          %get3A_130 = tpu.vector_load %arg8[%get3A] {strides = array<i32>} : memref<2048xi32, #tpu.memory_space<vmem>>, vector<16xi32>,
          %gather3A = tpu.vector_load_idx %arg6[%get3A_130] : memref<100352xf32, #tpu.memory_space<vmem>>[vector<16xi32>], vector<16xf32>,
          %swap3A = arith.index_cast %add3A_129 : i32 to index
          %swap3A_131 = tpu.vector_load %arg12[%swap3A] {strides = array<i32>} : memref<2048xf32, #tpu.memory_space<vmem>>, vector<16xf32>,
          tpu.vector_store %arg12[%swap3A], %gather3A {strides = array<i32>} : memref<2048xf32, #tpu.memory_space<vmem>>, vector<16xf32>,
        }
        %scan3A_112 = arith.constant 128 : i32
        %dma_wait3A_113 = arith.constant 0 : i32
        %dma_wait3A_114 = tpu.memref_slice %arg3[%scan3A_44, %dma_wait3A_113] : memref<2x6400000xi32, #tpu.memory_space<hbm>> -> memref<1x6400000xi32, #tpu.memory_space<hbm>>
        %dma_wait3A_115 = tpu.memref_squeeze %dma_wait3A_114 : memref<1x6400000xi32, #tpu.memory_space<hbm>> -> memref<6400000xi32, #tpu.memory_space<hbm>>
        %dma_wait3A_116 = tpu.memref_slice %dma_wait3A_115[%mul3A_81] : memref<6400000xi32, #tpu.memory_space<hbm>> -> memref<2048xi32, #tpu.memory_space<hbm>>
        %dma_wait3A_117 = arith.constant 0 : i32
        %dma_wait3A_118 = tpu.memref_slice %arg3[%scan3A_44, %dma_wait3A_117] : memref<2x6400000xi32, #tpu.memory_space<hbm>> -> memref<1x6400000xi32, #tpu.memory_space<hbm>>
        %dma_wait3A_119 = tpu.memref_squeeze %dma_wait3A_118 : memref<1x6400000xi32, #tpu.memory_space<hbm>> -> memref<6400000xi32, #tpu.memory_space<hbm>>
        %dma_wait3A_120 = tpu.memref_slice %dma_wait3A_119[%mul3A_81] : memref<6400000xi32, #tpu.memory_space<hbm>> -> memref<2048xi32, #tpu.memory_space<hbm>>
        tpu.wait_dma2 semaphore(%arg21 : memref<!tpu.dma_semaphore, #tpu.memory_space<semaphore_mem>>) src(%dma_wait3A_120 : memref<2048xi32, #tpu.memory_space<hbm>>) dst(%arg10 : memref<2048xi32, #tpu.memory_space<vmem>>)
        %dma_start3A_121 = arith.constant 0 : i32
        %dma_start3A_122 = tpu.memref_slice %arg15[%dma_start3A_121] : memref<100352xf32, #tpu.memory_space<vmem_shared>> -> memref<100352xf32, #tpu.memory_space<vmem_shared>>
        tpu.enqueue_indirect_dma source(%arg12 : memref<2048xf32, #tpu.memory_space<vmem>>) target(%dma_start3A_122 : memref<100352xf32, #tpu.memory_space<vmem_shared>>) offsets(%arg10 : memref<2048xi32, #tpu.memory_space<vmem>>) semaphore(%arg23 : memref<!tpu.dma_semaphore, #tpu.memory_space<semaphore_mem>>) {add = true}
        %dma_start3A_123 = arith.constant 0 : i32
        %dma_start3A_124 = tpu.memref_slice %arg16[%dma_start3A_123] : memref<100352xf32, #tpu.memory_space<vmem_shared>> -> memref<100352xf32, #tpu.memory_space<vmem_shared>>
        tpu.enqueue_indirect_dma source(%arg13 : memref<2048xf32, #tpu.memory_space<vmem>>) target(%dma_start3A_124 : memref<100352xf32, #tpu.memory_space<vmem_shared>>) offsets(%arg10 : memref<2048xi32, #tpu.memory_space<vmem>>) semaphore(%arg23 : memref<!tpu.dma_semaphore, #tpu.memory_space<semaphore_mem>>) {add = true}
      } else {
      }
    }
    %scan3A_49 = arith.constant 49 : i32
    %dma_wait3A = arith.constant 0 : i32
    %dma_wait3A_50 = tpu.memref_slice %arg15[%dma_wait3A] : memref<100352xf32, #tpu.memory_space<vmem_shared>> -> memref<100352xf32, #tpu.memory_space<vmem_shared>>
    tpu.wait_indirect_dma semaphore(%arg22 : memref<!tpu.dma_semaphore, #tpu.memory_space<semaphore_mem>>) src(%arg11 : memref<2048xf32, #tpu.memory_space<vmem>>) dst(%dma_wait3A_50 : memref<100352xf32, #tpu.memory_space<vmem_shared>>)
    %dma_wait3A_51 = arith.constant 0 : i32
    %dma_wait3A_52 = tpu.memref_slice %arg16[%dma_wait3A_51] : memref<100352xf32, #tpu.memory_space<vmem_shared>> -> memref<100352xf32, #tpu.memory_space<vmem_shared>>
    tpu.wait_indirect_dma semaphore(%arg22 : memref<!tpu.dma_semaphore, #tpu.memory_space<semaphore_mem>>) src(%arg13 : memref<2048xf32, #tpu.memory_space<vmem>>) dst(%dma_wait3A_52 : memref<100352xf32, #tpu.memory_space<vmem_shared>>)
    %dma_wait3A_53 = arith.constant 0 : i32
    %dma_wait3A_54 = tpu.memref_slice %arg15[%dma_wait3A_53] : memref<100352xf32, #tpu.memory_space<vmem_shared>> -> memref<100352xf32, #tpu.memory_space<vmem_shared>>
    tpu.wait_indirect_dma semaphore(%arg23 : memref<!tpu.dma_semaphore, #tpu.memory_space<semaphore_mem>>) src(%arg12 : memref<2048xf32, #tpu.memory_space<vmem>>) dst(%dma_wait3A_54 : memref<100352xf32, #tpu.memory_space<vmem_shared>>)
    %dma_wait3A_55 = arith.constant 0 : i32
    %dma_wait3A_56 = tpu.memref_slice %arg16[%dma_wait3A_55] : memref<100352xf32, #tpu.memory_space<vmem_shared>> -> memref<100352xf32, #tpu.memory_space<vmem_shared>>
    tpu.wait_indirect_dma semaphore(%arg23 : memref<!tpu.dma_semaphore, #tpu.memory_space<semaphore_mem>>) src(%arg13 : memref<2048xf32, #tpu.memory_space<vmem>>) dst(%dma_wait3A_56 : memref<100352xf32, #tpu.memory_space<vmem_shared>>)
    %barrier3A_57 = arith.constant 0 : index
    tpu.barrier barrier_id(%barrier3A_57)
    %mul3A_58 = arith.constant 6272 : i32
    %mul3A_59 = arith.muli %arg1, %mul3A_58 : i32
    "tpu.region"() ({
      %run_scoped3A = tpu.sem_alloc : memref<!tpu.dma_semaphore, #tpu.memory_space<semaphore_mem>>
      %dma_start3A_60 = arith.constant 0 : i32
      %dma_start3A_61 = tpu.memref_slice %arg4[%arg0, %dma_start3A_60] : memref<2x100352xf32, #tpu.memory_space<hbm>> -> memref<1x100352xf32, #tpu.memory_space<hbm>>
      %dma_start3A_62 = tpu.memref_squeeze %dma_start3A_61 : memref<1x100352xf32, #tpu.memory_space<hbm>> -> memref<100352xf32, #tpu.memory_space<hbm>>
      %dma_start3A_63 = tpu.memref_slice %dma_start3A_62[%mul3A_59] : memref<100352xf32, #tpu.memory_space<hbm>> -> memref<6272xf32, #tpu.memory_space<hbm>>
      %dma_start3A_64 = tpu.memref_slice %arg15[%mul3A_59] : memref<100352xf32, #tpu.memory_space<vmem_shared>> -> memref<6272xf32, #tpu.memory_space<vmem_shared>>
      tpu.enqueue_dma source(%dma_start3A_64 : memref<6272xf32, #tpu.memory_space<vmem_shared>>) target(%dma_start3A_63 : memref<6272xf32, #tpu.memory_space<hbm>>) target_semaphore(%run_scoped3A : memref<!tpu.dma_semaphore, #tpu.memory_space<semaphore_mem>>)
      %dma_wait3A_65 = arith.constant 0 : i32
      %dma_wait3A_66 = tpu.memref_slice %arg4[%arg0, %dma_wait3A_65] : memref<2x100352xf32, #tpu.memory_space<hbm>> -> memref<1x100352xf32, #tpu.memory_space<hbm>>
      %dma_wait3A_67 = tpu.memref_squeeze %dma_wait3A_66 : memref<1x100352xf32, #tpu.memory_space<hbm>> -> memref<100352xf32, #tpu.memory_space<hbm>>
      %dma_wait3A_68 = tpu.memref_slice %dma_wait3A_67[%mul3A_59] : memref<100352xf32, #tpu.memory_space<hbm>> -> memref<6272xf32, #tpu.memory_space<hbm>>
      %dma_wait3A_69 = tpu.memref_slice %arg15[%mul3A_59] : memref<100352xf32, #tpu.memory_space<vmem_shared>> -> memref<6272xf32, #tpu.memory_space<vmem_shared>>
      tpu.wait_dma2 semaphore(%run_scoped3A : memref<!tpu.dma_semaphore, #tpu.memory_space<semaphore_mem>>) src(%dma_wait3A_69 : memref<6272xf32, #tpu.memory_space<vmem_shared>>) dst(%dma_wait3A_68 : memref<6272xf32, #tpu.memory_space<hbm>>)
      tpu.yield
    }) : () -> ()
    "tpu.region"() ({
      %run_scoped3A = tpu.sem_alloc : memref<!tpu.dma_semaphore, #tpu.memory_space<semaphore_mem>>
      %dma_start3A_60 = arith.constant 0 : i32
      %dma_start3A_61 = tpu.memref_slice %arg5[%arg0, %dma_start3A_60] : memref<2x100352xf32, #tpu.memory_space<hbm>> -> memref<1x100352xf32, #tpu.memory_space<hbm>>
      %dma_start3A_62 = tpu.memref_squeeze %dma_start3A_61 : memref<1x100352xf32, #tpu.memory_space<hbm>> -> memref<100352xf32, #tpu.memory_space<hbm>>
      %dma_start3A_63 = tpu.memref_slice %dma_start3A_62[%mul3A_59] : memref<100352xf32, #tpu.memory_space<hbm>> -> memref<6272xf32, #tpu.memory_space<hbm>>
      %dma_start3A_64 = tpu.memref_slice %arg16[%mul3A_59] : memref<100352xf32, #tpu.memory_space<vmem_shared>> -> memref<6272xf32, #tpu.memory_space<vmem_shared>>
      tpu.enqueue_dma source(%dma_start3A_64 : memref<6272xf32, #tpu.memory_space<vmem_shared>>) target(%dma_start3A_63 : memref<6272xf32, #tpu.memory_space<hbm>>) target_semaphore(%run_scoped3A : memref<!tpu.dma_semaphore, #tpu.memory_space<semaphore_mem>>)
      %dma_wait3A_65 = arith.constant 0 : i32
      %dma_wait3A_66 = tpu.memref_slice %arg5[%arg0, %dma_wait3A_65] : memref<2x100352xf32, #tpu.memory_space<hbm>> -> memref<1x100352xf32, #tpu.memory_space<hbm>>
      %dma_wait3A_67 = tpu.memref_squeeze %dma_wait3A_66 : memref<1x100352xf32, #tpu.memory_space<hbm>> -> memref<100352xf32, #tpu.memory_space<hbm>>
      %dma_wait3A_68 = tpu.memref_slice %dma_wait3A_67[%mul3A_59] : memref<100352xf32, #tpu.memory_space<hbm>> -> memref<6272xf32, #tpu.memory_space<hbm>>
      %dma_wait3A_69 = tpu.memref_slice %arg16[%mul3A_59] : memref<100352xf32, #tpu.memory_space<vmem_shared>> -> memref<6272xf32, #tpu.memory_space<vmem_shared>>
      tpu.wait_dma2 semaphore(%run_scoped3A : memref<!tpu.dma_semaphore, #tpu.memory_space<semaphore_mem>>) src(%dma_wait3A_69 : memref<6272xf32, #tpu.memory_space<vmem_shared>>) dst(%dma_wait3A_68 : memref<6272xf32, #tpu.memory_space<hbm>>)
      tpu.yield
    }) : () -> ()
    return
  }
}

module attributes {stable_mosaic.version = 14 : i64} {
  func.func @_fin_body(%arg0: memref<1x1xf32, #tpu.memory_space<smem>>, %arg1: memref<2x784x128xf32, #tpu.memory_space<vmem>>, %arg2: memref<2x784x128xf32, #tpu.memory_space<vmem>>, %arg3: memref<784x128xf32, #tpu.memory_space<vmem>>) attributes {dimension_semantics = [], scalar_prefetch = 0 : i64, scratch_operands = 0 : i64, tpu.core_type = #tpu.core_type<tc>} {
    %get3A = arith.constant 0 : index
    %get3A_0 = arith.constant 0 : index
    %get3A_1 = arith.constant 0 : index
    %get3A_2 = vector.load %arg1[%get3A, %get3A_0, %get3A_1] : memref<2x784x128xf32, #tpu.memory_space<vmem>>, vector<1x784x128xf32>
    %get3A_3 = vector.shape_cast %get3A_2 : vector<1x784x128xf32> to vector<784x128xf32>
    %get3A_4 = arith.constant 1 : index
    %get3A_5 = arith.constant 0 : index
    %get3A_6 = arith.constant 0 : index
    %get3A_7 = vector.load %arg1[%get3A_4, %get3A_5, %get3A_6] : memref<2x784x128xf32, #tpu.memory_space<vmem>>, vector<1x784x128xf32>
    %get3A_8 = vector.shape_cast %get3A_7 : vector<1x784x128xf32> to vector<784x128xf32>
    %add3A = arith.addf %get3A_3, %get3A_8 : vector<784x128xf32>
    %get3A_9 = arith.constant 0 : index
    %get3A_10 = arith.constant 0 : index
    %get3A_11 = arith.constant 0 : index
    %get3A_12 = vector.load %arg2[%get3A_9, %get3A_10, %get3A_11] : memref<2x784x128xf32, #tpu.memory_space<vmem>>, vector<1x784x128xf32>
    %get3A_13 = vector.shape_cast %get3A_12 : vector<1x784x128xf32> to vector<784x128xf32>
    %get3A_14 = arith.constant 1 : index
    %get3A_15 = arith.constant 0 : index
    %get3A_16 = arith.constant 0 : index
    %get3A_17 = vector.load %arg2[%get3A_14, %get3A_15, %get3A_16] : memref<2x784x128xf32, #tpu.memory_space<vmem>>, vector<1x784x128xf32>
    %get3A_18 = vector.shape_cast %get3A_17 : vector<1x784x128xf32> to vector<784x128xf32>
    %add3A_19 = arith.addf %get3A_13, %get3A_18 : vector<784x128xf32>
    %get3A_20 = arith.constant 0 : index
    %get3A_21 = arith.constant 0 : index
    %get3A_22 = memref.load %arg0[%get3A_20, %get3A_21] : memref<1x1xf32, #tpu.memory_space<smem>>
    %mul3A = vector.broadcast %get3A_22 : f32 to vector<784x128xf32>
    %mul3A_23 = arith.mulf %mul3A, %add3A : vector<784x128xf32>
    %max3A = arith.constant 1.000000e+00 : f32
    %max3A_24 = vector.broadcast %max3A : f32 to vector<784x128xf32>
    %max3A_25 = arith.maximumf %add3A_19, %max3A_24 : vector<784x128xf32>
    %div3A = arith.divf %mul3A_23, %max3A_25 : vector<784x128xf32>
    %swap3A = arith.constant 0 : index
    %swap3A_26 = arith.constant 0 : index
    %swap3A_27 = vector.load %arg3[%swap3A, %swap3A_26] : memref<784x128xf32, #tpu.memory_space<vmem>>, vector<784x128xf32>
    tpu.vector_store %arg3[%swap3A, %swap3A_26], %div3A {strides = array<i32>} : memref<784x128xf32, #tpu.memory_space<vmem>>, vector<784x128xf32>,
    return
  }
}

module attributes {stable_mosaic.version = 14 : i64} {
  func.func @_h_body(%arg0: memref<784x128xf32, #tpu.memory_space<vmem>>, %arg1: memref<4x1xf32, #tpu.memory_space<smem>>, %arg2: memref<4xf32, #tpu.memory_space<smem>>, %arg3: memref<1x4xf32, #tpu.memory_space<smem>>, %arg4: memref<1xf32, #tpu.memory_space<smem>>, %arg5: memref<784x128xf32, #tpu.memory_space<vmem>>) attributes {dimension_semantics = [], scalar_prefetch = 0 : i64, scratch_operands = 0 : i64, tpu.core_type = #tpu.core_type<tc>} {
    %get3A = arith.constant 0 : index
    %get3A_0 = arith.constant 0 : index
    %get3A_1 = vector.load %arg0[%get3A, %get3A_0] : memref<784x128xf32, #tpu.memory_space<vmem>>, vector<784x128xf32>
    %broadcast_in_dim3A = arith.constant 0.000000e+00 : f32
    %broadcast_in_dim3A_2 = vector.broadcast %broadcast_in_dim3A : f32 to vector<784x128xf32>
    %get3A_3 = arith.constant 0 : index
    %get3A_4 = memref.load %arg4[%get3A_3] : memref<1xf32, #tpu.memory_space<smem>>
    %add3A = vector.broadcast %get3A_4 : f32 to vector<784x128xf32>
    %add3A_5 = arith.addf %broadcast_in_dim3A_2, %add3A : vector<784x128xf32>
    %get3A_6 = arith.constant 0 : index
    %get3A_7 = arith.constant 0 : index
    %get3A_8 = memref.load %arg3[%get3A_6, %get3A_7] : memref<1x4xf32, #tpu.memory_space<smem>>
    %get3A_9 = arith.constant 0 : index
    %get3A_10 = arith.constant 0 : index
    %get3A_11 = memref.load %arg1[%get3A_9, %get3A_10] : memref<4x1xf32, #tpu.memory_space<smem>>
    %mul3A = vector.broadcast %get3A_11 : f32 to vector<784x128xf32>
    %mul3A_12 = arith.mulf %get3A_1, %mul3A : vector<784x128xf32>
    %get3A_13 = arith.constant 0 : index
    %get3A_14 = memref.load %arg2[%get3A_13] : memref<4xf32, #tpu.memory_space<smem>>
    %add3A_15 = vector.broadcast %get3A_14 : f32 to vector<784x128xf32>
    %add3A_16 = arith.addf %mul3A_12, %add3A_15 : vector<784x128xf32>
    %max3A = arith.constant 0.000000e+00 : f32
    %max3A_17 = vector.broadcast %max3A : f32 to vector<784x128xf32>
    %max3A_18 = arith.maximumf %add3A_16, %max3A_17 : vector<784x128xf32>
    %mul3A_19 = vector.broadcast %get3A_8 : f32 to vector<784x128xf32>
    %mul3A_20 = arith.mulf %mul3A_19, %max3A_18 : vector<784x128xf32>
    %add3A_21 = arith.addf %add3A_5, %mul3A_20 : vector<784x128xf32>
    %get3A_22 = arith.constant 0 : index
    %get3A_23 = arith.constant 1 : index
    %get3A_24 = memref.load %arg3[%get3A_22, %get3A_23] : memref<1x4xf32, #tpu.memory_space<smem>>
    %get3A_25 = arith.constant 1 : index
    %get3A_26 = arith.constant 0 : index
    %get3A_27 = memref.load %arg1[%get3A_25, %get3A_26] : memref<4x1xf32, #tpu.memory_space<smem>>
    %mul3A_28 = vector.broadcast %get3A_27 : f32 to vector<784x128xf32>
    %mul3A_29 = arith.mulf %get3A_1, %mul3A_28 : vector<784x128xf32>
    %get3A_30 = arith.constant 1 : index
    %get3A_31 = memref.load %arg2[%get3A_30] : memref<4xf32, #tpu.memory_space<smem>>
    %add3A_32 = vector.broadcast %get3A_31 : f32 to vector<784x128xf32>
    %add3A_33 = arith.addf %mul3A_29, %add3A_32 : vector<784x128xf32>
    %max3A_34 = arith.constant 0.000000e+00 : f32
    %max3A_35 = vector.broadcast %max3A_34 : f32 to vector<784x128xf32>
    %max3A_36 = arith.maximumf %add3A_33, %max3A_35 : vector<784x128xf32>
    %mul3A_37 = vector.broadcast %get3A_24 : f32 to vector<784x128xf32>
    %mul3A_38 = arith.mulf %mul3A_37, %max3A_36 : vector<784x128xf32>
    %add3A_39 = arith.addf %add3A_21, %mul3A_38 : vector<784x128xf32>
    %get3A_40 = arith.constant 0 : index
    %get3A_41 = arith.constant 2 : index
    %get3A_42 = memref.load %arg3[%get3A_40, %get3A_41] : memref<1x4xf32, #tpu.memory_space<smem>>
    %get3A_43 = arith.constant 2 : index
    %get3A_44 = arith.constant 0 : index
    %get3A_45 = memref.load %arg1[%get3A_43, %get3A_44] : memref<4x1xf32, #tpu.memory_space<smem>>
    %mul3A_46 = vector.broadcast %get3A_45 : f32 to vector<784x128xf32>
    %mul3A_47 = arith.mulf %get3A_1, %mul3A_46 : vector<784x128xf32>
    %get3A_48 = arith.constant 2 : index
    %get3A_49 = memref.load %arg2[%get3A_48] : memref<4xf32, #tpu.memory_space<smem>>
    %add3A_50 = vector.broadcast %get3A_49 : f32 to vector<784x128xf32>
    %add3A_51 = arith.addf %mul3A_47, %add3A_50 : vector<784x128xf32>
    %max3A_52 = arith.constant 0.000000e+00 : f32
    %max3A_53 = vector.broadcast %max3A_52 : f32 to vector<784x128xf32>
    %max3A_54 = arith.maximumf %add3A_51, %max3A_53 : vector<784x128xf32>
    %mul3A_55 = vector.broadcast %get3A_42 : f32 to vector<784x128xf32>
    %mul3A_56 = arith.mulf %mul3A_55, %max3A_54 : vector<784x128xf32>
    %add3A_57 = arith.addf %add3A_39, %mul3A_56 : vector<784x128xf32>
    %get3A_58 = arith.constant 0 : index
    %get3A_59 = arith.constant 3 : index
    %get3A_60 = memref.load %arg3[%get3A_58, %get3A_59] : memref<1x4xf32, #tpu.memory_space<smem>>
    %get3A_61 = arith.constant 3 : index
    %get3A_62 = arith.constant 0 : index
    %get3A_63 = memref.load %arg1[%get3A_61, %get3A_62] : memref<4x1xf32, #tpu.memory_space<smem>>
    %mul3A_64 = vector.broadcast %get3A_63 : f32 to vector<784x128xf32>
    %mul3A_65 = arith.mulf %get3A_1, %mul3A_64 : vector<784x128xf32>
    %get3A_66 = arith.constant 3 : index
    %get3A_67 = memref.load %arg2[%get3A_66] : memref<4xf32, #tpu.memory_space<smem>>
    %add3A_68 = vector.broadcast %get3A_67 : f32 to vector<784x128xf32>
    %add3A_69 = arith.addf %mul3A_65, %add3A_68 : vector<784x128xf32>
    %max3A_70 = arith.constant 0.000000e+00 : f32
    %max3A_71 = vector.broadcast %max3A_70 : f32 to vector<784x128xf32>
    %max3A_72 = arith.maximumf %add3A_69, %max3A_71 : vector<784x128xf32>
    %mul3A_73 = vector.broadcast %get3A_60 : f32 to vector<784x128xf32>
    %mul3A_74 = arith.mulf %mul3A_73, %max3A_72 : vector<784x128xf32>
    %add3A_75 = arith.addf %add3A_57, %mul3A_74 : vector<784x128xf32>
    %swap3A = arith.constant 0 : index
    %swap3A_76 = arith.constant 0 : index
    %swap3A_77 = vector.load %arg5[%swap3A, %swap3A_76] : memref<784x128xf32, #tpu.memory_space<vmem>>, vector<784x128xf32>
    tpu.vector_store %arg5[%swap3A, %swap3A_76], %add3A_75 {strides = array<i32>} : memref<784x128xf32, #tpu.memory_space<vmem>>, vector<784x128xf32>,
    return
  }
}

</mosaic_0001>

<sc_bundles>
// kernel: kernel.5.cloned.1.call-start
scs
__scs_entry_jumppad:
0x0: {  	(pc) =	sbr.rel $0x88, $3  }
0x1: {  	(tag) =	ssettag $0x0;
	lr =	simm.s32 $0x1  }
0x2: {  	[smem:$0x3F9A] =	sst lr;
	_ =	strace $0xD0000000  }
0x3: {  	_ = 	snop  }
0x4: {  	_ = 	snop  }
0x5: {  	_ = 	snop  }
0x6: {  	_ = 	snop  }
0x7: {  	_ = 	snop  }
__scs_overlays_trampoline_lowered:
0x8: {  	[smem:$0x3FA9] =	sst s0  }
0x9: {  	[smem:$0x3FAA] =	sst s1  }
0xa: {  	[smem:$0x3FAB] =	sst s2  }
0xb: {  	[smem:$0x3FAC] =	sst s3  }
0xc: {  	[smem:$0x3FAD] =	sst s4  }
0xd: {  	[smem:$0x3FAE] =	sst s5  }
0xe: {  	[smem:$0x3FAF] =	sst s6  }
0xf: {  	[smem:$0x3FB0] =	sst s7  }
0x10: {  	[smem:$0x3FB1] =	sst s8  }
0x11: {  	[smem:$0x3FB2] =	sst s9;
	s0 =	simm.s32 @!p0 $0x0  }
0x12: {  	s1 =	sld [smem:$0x3F98];
	s0 =	simm.s32 @p0 $0x1  }
0x13: {  	[smem:$0x3FB3] =	sst s0;
	s0 =	simm.s32 @!p1 $0x0  }
0x14: {  	s2 =	sld [smem:$0x3F97];
	s0 =	simm.s32 @p1 $0x1  }
0x15: {  	[smem:$0x3FB4] =	sst s0;
	s0 =	simm.s32 @!p2 $0x0  }
0x16: {  	s3 =	sld [smem:$0x3FDB];
	s0 =	simm.s32 @p2 $0x1  }
0x17: {  	s4 =	simm.s32 $0x1BF5;
	[smem:$0x3FB6] =	sst s0  }
0x18: {  	s0 =	sld [smem:$0x3F99];
	_ =	swait.ge [sflag:s4], $0x0  }
0x19: {  	s7 =	sld [smem:$0x3F9A]  }
0x1a: {  	s8 =	sadd.s32 $0xFFFFE003, lr  }
0x1b: {  	s9 =	sadd.s32 $0xFFFFFEF7, lr;
	s5 =	simm.s32 $0xFFFFFFFF;
	p2 =	slt.u32 s8, $0xFFFFF086  }
0x1c: {  	p1 =	slt.u32 s9, $0xF7A;
	s5 =	simm.s32 @!p2 $0x0  }
0x1d: {  	s5 =	simm.s32 @p1 $0x1;
	p0 =	seq.s32 s7, s2  }
0x1e: {  	s7 =	smul.u32 @!p0 $0xF7A, s2;
	p2 =	seq.s32 @!p0 s5, $0x0  }
0x1f: {  	s9 =	smul.u32 $0xF7A, s1;
	s8 =	simm.s32 @!p0 $0x1BF5;
	p2 =	por !p2, p0  }
0x20: {  	[sflag:s8] =	ssyncset.s32 @!p0 $0xFFFFF086;
	s6 =	sadd.s32 @!p0 s3, s7;
	s7 =	simm.s32 @!p0 $0x108  }
0x21: {  	s3 =	sadd.s32 s3, s9;
	s6 =	sadd.s32 @!p0 $0x88, s6;
	s7 =	simm.s32 @p2 $0x1082  }
0x22: {  	[simem:s7], [sflag:s8] =	dma.local @!p0 [hbm:s6], $0xF7A  }
0x23: {  	s9 =	sor.u32 $0xD0000000, s2;
	s6 =	simm.s32 $0x108;
	_ =	swait.ge @!p0 [sflag:s8], $0x0  }
0x24: {  	s3 =	sadd.s32 $0x88, s3;
	s6 =	simm.s32 @!p1 $0x1082;
	[sflag:s4] =	ssyncset.s32 $0xFFFFF086  }
0x25: {  	[simem:s6], [sflag:s4] =	dma.local [hbm:s3], $0xF7A  }
0x26: {  	[smem:$0x3F9A] =	sst s1;
	(tag) =	ssettag s2;
	_ =	strace s9  }
0x27: {  	s1 =	sld [smem:$0x3FAA]  }
0x28: {  	s2 =	sld [smem:$0x3FAB]  }
0x29: {  	s4 =	sld [smem:$0x3FAD]  }
0x2a: {  	p0 =	seq.s32 s5, $0x0;
	s5 =	sld [smem:$0x3FAE]  }
0x2b: {  	s6 =	sld [smem:$0x3FAF]  }
0x2c: {  	s7 =	sld [smem:$0x3FB0]  }
0x2d: {  	s3 =	simm.s32 $0x108;
	s8 =	sld [smem:$0x3FB1]  }
0x2e: {  	s3 =	simm.s32 @!p0 $0x1082;
	s9 =	sld [smem:$0x3FB2]  }
0x2f: {  	lr =	sadd.s32 s0, s3;
	s0 =	sld [smem:$0x3FA9]  }
0x30: {  	s3 =	sld [smem:$0x3FAC]  }
0x31: {  	[smem:$0x3FB5] =	sst s10  }
0x32: {  	s10 =	sld [smem:$0x3FB3];
	_ =	sdelay $0x3  }
0x33: {  	p0 =	seq.s32 s10, $0x1;
	s10 =	sld [smem:$0x3FB5];
	_ =	sdelay $0x3  }
0x34: {  	[smem:$0x3FB5] =	sst s10  }
0x35: {  	s10 =	sld [smem:$0x3FB4];
	_ =	sdelay $0x3  }
0x36: {  	p1 =	seq.s32 s10, $0x1;
	s10 =	sld [smem:$0x3FB5];
	_ =	sdelay $0x3  }
0x37: {  	[smem:$0x3FB5] =	sst s10  }
0x38: {  	s10 =	sld [smem:$0x3FB6]  }
0x39: {  	_ = 	snop;
	(pc) =	sbr.ind lr, $3  }
0x3a: {  	_ = 	snop  }
0x3b: {  	_ = 	snop  }
0x3c: {  	p2 =	seq.s32 s10, $0x1;
	s10 =	sld [smem:$0x3FB5]  }
0x3d: {  	_ =	shalt  }
0x3e: {  	_ =	shalt  }
0x3f: {  	_ =	shalt  }
0x40: {  	_ =	shalt  }
0x41: {  	_ =	shalt  }
0x42: {  	_ =	shalt  }
0x43: {  	_ =	shalt  }
0x44: {  	_ =	shalt  }
0x45: {  	_ =	shalt  }
0x46: {  	_ =	shalt  }
0x47: {  	_ =	shalt  }
0x48: {  	_ =	shalt  }
0x49: {  	_ =	shalt  }
0x4a: {  	_ =	shalt  }
0x4b: {  	_ =	shalt  }
0x4c: {  	_ =	shalt  }
0x4d: {  	_ =	shalt  }
0x4e: {  	_ =	shalt  }
0x4f: {  	_ =	shalt  }
0x50: {  	_ =	shalt  }
0x51: {  	_ =	shalt  }
0x52: {  	_ =	shalt  }
0x53: {  	_ =	shalt  }
0x54: {  	_ =	shalt  }
0x55: {  	_ =	shalt  }
0x56: {  	_ =	shalt  }
0x57: {  	_ =	shalt  }
0x58: {  	_ =	shalt  }
0x59: {  	_ =	shalt  }
0x5a: {  	_ =	shalt  }
0x5b: {  	_ =	shalt  }
0x5c: {  	_ =	shalt  }
0x5d: {  	_ =	shalt  }
0x5e: {  	_ =	shalt  }
0x5f: {  	_ =	shalt  }
0x60: {  	_ =	shalt  }
0x61: {  	_ =	shalt  }
0x62: {  	_ =	shalt  }
0x63: {  	_ =	shalt  }
0x64: {  	_ =	shalt  }
0x65: {  	_ =	shalt  }
0x66: {  	_ =	shalt  }
0x67: {  	_ =	shalt  }
0x68: {  	_ =	shalt  }
0x69: {  	_ =	shalt  }
0x6a: {  	_ =	shalt  }
0x6b: {  	_ =	shalt  }
0x6c: {  	_ =	shalt  }
0x6d: {  	_ =	shalt  }
0x6e: {  	_ =	shalt  }
0x6f: {  	_ =	shalt  }
0x70: {  	_ =	shalt  }
0x71: {  	_ =	shalt  }
0x72: {  	_ =	shalt  }
0x73: {  	_ =	shalt  }
0x74: {  	_ =	shalt  }
0x75: {  	_ =	shalt  }
0x76: {  	_ =	shalt  }
0x77: {  	_ =	shalt  }
0x78: {  	_ =	shalt  }
0x79: {  	_ =	shalt  }
0x7a: {  	_ =	shalt  }
0x7b: {  	_ =	shalt  }
0x7c: {  	_ =	shalt  }
0x7d: {  	_ =	shalt  }
0x7e: {  	_ =	shalt  }
0x7f: {  	_ =	shalt  }
0x80: {  	_ =	shalt  }
0x81: {  	_ =	shalt  }
0x82: {  	_ =	shalt  }
0x83: {  	_ =	shalt  }
0x84: {  	_ =	shalt  }
0x85: {  	_ =	shalt  }
0x86: {  	_ =	shalt  }
0x87: {  	_ =	shalt  }
.Lfunc_end0:
.L_simem_size_0:
called_computation_lowered:
.L_overlay_start_0:
0x88: {  	s2 =	sld [smem:$0x3FD9]  }
0x89: {  	s3 =	sld [smem:$0x3FFE];
	_ =	sdelay $0x1  }
0x8a: {  	s1 =	srdreg.scid  }
0x8b: {  	s0 =	sand.u32 $0x1, s1  }
0x8c: {  	s17 =	sshll.u32 s0, $0xA;
	s2 =	sadd.s32 s3, s2  }
0x8d: {  	s2 =	sadd.s32 s2, s17  }
0x8e: {  	[smem:$0x3FC1] =	sst s2  }
0x8f: {  	_ = 	snop  }
0x90: {  	s2 =	sld [smem:$0x3FC8];
	(tm) =	ssettm $0x1  }
0x91: {  	s18 =	sld [smem:$0x3FFB];
	_ =	sdelay $0x3  }
0x92: {  	_ =	strace s18  }
0x93: {  	s3 =	sld [smem:$0x3FFC];
	_ =	sdelay $0x3  }
0x94: {  	_ =	strace s3  }
0x95: {  	s3 =	sld [smem:$0x3FFD];
	_ =	sdelay $0x3  }
0x96: {  	_ =	strace s3  }
0x97: {  	_ =	strace $0x8FFFFFFF  }
0x98: {  	s19 =	sld [smem:$0x3FDB];
	_ =	sdelay $0x1  }
0x99: {  	s4 =	simm.s32 $_scs_section_size  }
0x9a: {  	s5 =	simm.s32 $_size__tile_overlayer_lowered;
	s6 =	simm.s32 $_tile_overlayer_lowered  }
0x9b: {  	s22 =	simm.s32 $0x1BFF;
	s21 =	sshll.u32 s6, $0x1;
	s3 =	sadd.s32 s4, s19  }
0x9c: {  	s7 =	simm.s32 $0x0;
	s20 =	sshll.u32 s5, $0x1;
	s5 =	sadd.s32 s21, s3  }
0x9d: {  	[timem:s7], [sflag:s22] =	dma.local [hbm:s5], s20  }
0x9e: {  	_ =	swait.ge [sflag:s22], s20  }
0x9f: {  	s4 =	ssub.s32 $0x0, s20;
	[sflag:s22] =	ssyncset.done $0x0  }
0xa0: {  	[sflag:s22] =	ssyncadd.s32 s4;
	_ =	sdelay $0x1  }
0xa1: {  	s23 =	simm.s32 $0x1B8B  }
0xa2: {  	_ =	swait.ge [sflag:s23], $0x1  }
0xa3: {  	[sflag:s23] =	ssyncset.done $0x0  }
0xa4: {  	s25 =	simm.s32 $0x1B8E;
	s24 =	sld [smem:$0x3FFE];
	[sflag:s23] =	ssyncadd.s32 $0xFFFFFFFF  }
0xa5: {  	s26 =	simm.s32 $execute0_lowered;
	[smem:$0x3FD2] =	sst s25  }
0xa6: {  	s5 =	sshll.u32 s26, $0x1;
	_ =	strace $0x80000046;
	[dreg:$0x1] =	wrdreg $0xFFFFFFFF  }
0xa7: {  	s28 =	simm.s32 $_size_execute0_lowered;
	s3 =	sadd.s32 s3, s5;
	[dreg:$0x0] =	wrdreg $0x0  }
0xa8: {  	s5 =	sshll.u32 s28, $0x1;
	[dreg:$0x2] =	wrdreg s3  }
0xa9: {  	[dreg:$0x3] =	wrdreg s5  }
0xaa: {  	[dreg:$0x4] =	wrdreg $0xC0  }
0xab: {  	_ =	task [dreg:s7], $0x5FFFF  }
0xac: {  	[dreg:$0x1] =	wrdreg $0xFFFFFFFF  }
0xad: {  	[dreg:$0x0] =	wrdreg $0x60  }
0xae: {  	[dreg:$0x2] =	wrdreg s24  }
0xaf: {  	[dreg:$0x3] =	wrdreg s2  }
0xb0: {  	[dreg:$0x4] =	wrdreg $0x1C8000  }
0xb1: {  	[dreg:$0x5] =	wrdreg $0x1E0800  }
0xb2: {  	[dreg:$0x6] =	wrdreg $0x9  }
0xb3: {  	_ =	task.clear_ibuf [dreg:s7], $0x7FFFF;
	_ =	strace $0x90000046  }
0xb4: {  	s29 =	simm.s32 $0x9;
	_ =	strace $0x80000048  }
0xb5: {  	_ =	swait.ge [sflag:s29], $0x1  }
0xb6: {  	[sflag:s29] =	ssyncadd.s32 $0xFFFFFFFF  }
0xb7: {  	_ =	strace $0x90000048  }
0xb8: {  	_ =	sfence  }
0xb9: {  	s30 =	sld [smem:$0x0];
	_ =	sdelay $0x2  }
0xba: {  	s31 =	sshll.u32 s1, $0xD;
	s1 =	sshrl.u32 s1, $0x2  }
0xbb: {  	s3 =	sand.u32 $0x4000, s31;
	s1 =	sadd.s32 s1, s30  }
0xbc: {  	s0 =	sor.u32 s3, s0;
	s1 =	sshll.u32 s1, $0x11  }
0xbd: {  	s0 =	sor.u32 s1, s0  }
0xbe: {  	s0 =	sadd.s32 $0x8F2B, s0  }
0xbf: {  	[sflag:s0] =	ssyncadd.remote.s32 $0x1  }
0xc0: {  	_ =	sfence.sel $0xFFFF  }
0xc1: {  	[dreg:$0x0] =	wrdreg $0xFFFFFFFF;
	(pc) =	sbr.abs _section_cstart, $3  }
0xc2: {  	[dreg:$0x1] =	wrdreg $0xFFFFFFFF  }
0xc3: {  	_ =	task.clear_ibuf [dreg:s7], $0x2FFFF;
	_ =	strace $0x9FFFFFFF  }
0xc4: {  	(tm) =	ssettm $0x7FFFFFFF  }
0xc5: {  	_ =	shalt  }
tec
execute0_lowered:
.L_overlay_start_1:
0x0: {  	(tag) =	ssettag $0x1  }
0x1: {  	s0 =	rddreg [dreg:$0x0]  }
0x2: {  	s3 =	rddreg [dreg:$0x1]  }
0x3: {  	s1 =	rddreg [dreg:$0x2]  }
0x4: {  	s2 =	rddreg [dreg:$0x3];
	s4 =	simm.s32 $0x0;
	s5 =	srdreg.scid  }
0x5: {  	s15 =	stileid.u32;
	s28 =	simm.s32 $0x80;
	s29 =	simm.s32 $0x100  }
0x6: {  	s31 =	simm.s32 $0x2;
	s30 =	simm.s32 $0x800;
	[smem:$0x7FF] =	sst s4  }
0x7: {  	s6 =	sadd.s32 $0xC00, s0;
	s5 =	sand.u32 $0x1, s5;
	s16 =	sshll.u32 s15, $0x1  }
0x8: {  	s9 =	smul.u32 $0x1880, s15;
	s13 =	sadd.s32 $0x10, s3;
	s14 =	sadd.s32 $0x200, s3  }
0x9: {  	s22 =	smul.u32 $0x620, s15;
	_ =	strace $0x80000047;
	[dreg:$0x5] =	wrdreg s6  }
0xa: {  	s7 =	sshll.u32 s5, $0x4;
	s6 =	sor.u32 s5, s16;
	s5 =	ssub.s32 $0x2, s5  }
0xb: {  	s0 =	sadd.s32 s7, s0;
	s17 =	smul.u32 $0x61, s6;
	s8 =	sshrl.u32 s5, $0x1  }
0xc: {  	s10 =	sadd.s32 $0x1800, s9;
	s11 =	smin.u32 s6, $0x15;
	p0 =	slt.u32 s6, $0x15  }
0xd: {  	s21 =	sadd.s32 s9, s2;
	s23 =	sadd.s32 $0x800, s9;
	s5 =	ssub.s32 s5, s8  }
0xe: {  	s18 =	sadd.s32 s10, s1;
	s8 =	simm.s32 $0x62;
	s10 =	sadd.s32 s10, s2  }
0xf: {  	s20 =	sadd.s32 $0x3E00, s0;
	s0 =	sadd.s32 $0xA000, s0;
	[dreg:$0xa] =	wrdreg s21  }
0x10: {  	s24 =	sadd.s32 s23, s1;
	[dreg:$0x6] =	wrdreg s18;
	s7 =	sadd.s32 s11, s17  }
0x11: {  	[dreg:$0x7] =	wrdreg s10;
	s8 =	simm.s32 @!p0 $0x61;
	s5 =	smax.u32 s5, $0x1  }
0x12: {  	[dreg:$0xc] =	wrdreg s24;
	s0 =	sadd.s32 s22, s0;
	s10 =	simm.s32 $0x1A000  }
0x13: {  	s17 =	simm.s32 $0x5;
	s18 =	simm.s32 $0x1B000;
	s24 =	simm.s32 $0x0  }
0x14: {  	s19 =	sshll.u32 s7, $0x9;
	s11 =	sadd.s32 $0xFFFFFFFF, s8;
	[dreg:$0xb] =	wrdreg s5  }
0x15: {  	s12 =	sadd.s32 $0xFFFFFFFE, s8;
	s5 =	sadd.s32 s23, s2;
	[dreg:$0x11] =	wrdreg s0  }
0x16: {  	s0 =	simm.s32 $0x19800;
	s6 =	sadd.s32 s3, s19;
	s19 =	sadd.s32 s9, s1  }
0x17: {  	s9 =	sadd.s32 $0x1000, s9;
	[dreg:$0xd] =	wrdreg s5;
	s3 =	sadd.s32 s22, s20  }
.Ltmp0:
0x18: {  	s5 =	simm.s32 $0x1A800;
	[dreg:$0x8] =	wrdreg s6;
	(pc) =	sbr.rel .LBB2_1-.Ltmp0, $4  }
0x19: {  	s20 =	simm.s32 $0x20;
	s22 =	simm.s32 $0x10;
	[dreg:$0x10] =	wrdreg s3  }
0x1a: {  	s25 =	sadd.s32 s9, s1;
	s26 =	sadd.s32 s9, s2;
	[dreg:$0x9] =	wrdreg s19  }
0x1b: {  	s3 =	simm.s32 $0x4;
	s6 =	simm.s32 $0x1B800;
	[dreg:$0xe] =	wrdreg s25  }
0x1c: {  	v0 =	vimm.f32 $1.000000000e+00;
	v1 =	vimm.f32 $0.0e+00;
	s9 =	simm.s32 $0x3;
	[dreg:$0xf] =	wrdreg s26;
	s25 =	simm.s32 $0x8  }
.LBB2_15:
0x1d: {  	s15 =	simm.s32 $0x6  }
0x1e: {  	_ =	swait.ge [sflag:s15], $0x800  }
0x1f: {  	[sflag:s15] =	ssyncset.done $0x0  }
0x20: {  	[sflag:s15] =	ssyncadd.s32 $0xFFFFF800  }
0x21: {  	_ =	swait.ge [sflag:s15], $0x800  }
0x22: {  	[sflag:s15] =	ssyncset.done $0x0  }
0x23: {  	s21 =	simm.s32 $0x7;
	[sflag:s15] =	ssyncadd.s32 $0xFFFFF800  }
0x24: {  	_ =	swait.ge [sflag:s21], $0x800  }
0x25: {  	[sflag:s21] =	ssyncset.done $0x0  }
0x26: {  	[sflag:s21] =	ssyncadd.s32 $0xFFFFF800  }
0x27: {  	_ =	swait.ge [sflag:s21], $0x800  }
0x28: {  	[sflag:s21] =	ssyncset.done $0x0  }
0x29: {  	[sflag:s21] =	ssyncadd.s32 $0xFFFFF800  }
0x2a: {  	s23 =	stileid.u32;
	[bflag:$0x0] =	sbarrier.arrive $0xFFFF  }
0x2b: {  	s26 =	simm.s32 $0x1;
	s15 =	sshll.u32 s23, $0x6;
	s19 =	rddreg [dreg:$0x9]  }
0x2c: {  	s15 =	sor.u32 $0x1C08, s15;
	s21 =	rddreg [dreg:$0x10];
	s16 =	sshrl.u32 s19, $0x3  }
0x2d: {  	[hbm:s21@s20], [sflag:s15] =	dma.strided [spmem:s16@s22], $0x310, s26, $0x10   }
0x2e: {  	_ =	swait.ge [sflag:s25], $0x310  }
0x2f: {  	[sflag:s25] =	ssyncset.done $0x0;
	s21 =	rddreg [dreg:$0xa]  }
0x30: {  	s23 =	rddreg [dreg:$0x11];
	[sflag:s25] =	ssyncadd.s32 $0xFFFFFCF0;
	s16 =	sshrl.u32 s21, $0x3  }
0x31: {  	[hbm:s23@s20], [sflag:s15] =	dma.strided [spmem:s16@s22], $0x310, s26, $0x10   }
0x32: {  	_ =	swait.ge [sflag:s25], $0x310  }
0x33: {  	s24 =	sadd.s32 $0x1, s24;
	s26 =	rddreg [dreg:$0xb]  }
0x34: {  	p0 =	sne.s32 s24, s26  }
.Ltmp1:
0x35: {  	_ = 	snop;
	(pc) =	sbr.rel @!p0 .LBB2_16-.Ltmp1, $3  }
0x36: {  	_ =	sdelay $0x1  }
0x37: {  	[sflag:s25] =	ssyncset.done $0x0  }
0x38: {  	[sflag:s25] =	ssyncadd.s32 $0xFFFFFCF0  }
.LBB2_1:
0x39: {  	s15 =	rddreg [dreg:$0x5]  }
0x3a: {  	[tilespmem:s4], [sflag:$0x1] =	stream.linear.gather [hbm4b:s15+s4], $0x18800, $0x38;
	[tilespmem:$0x1F900] =	vst v63  }
0x3b: {  	s15 =	simm.s32 $0x0  }
.LBB2_2:
0x3c: {  	p0 =	sne.s32 s15, $0x1FC0  }
.Ltmp2:
0x3d: {  	_ = 	snop;
	(pc) =	sbr.rel @p0 .LBB2_2-.Ltmp2, $3  }
0x3e: {  	_ =	sdelay $0x1  }
0x3f: {  	s16 =	sshra.s32 s15, $0x2  }
0x40: {  	s15 =	sadd.s32 $0x40, s15;
	[tilespmem:s16+$0x1B800] =	vst v0  }
0x41: {  	s15 =	simm.s32 $0x40;
	s16 =	simm.s32 $0x0  }
.LBB2_4:
0x42: {  	p0 =	sne.s32 s15, $0x1FC0;
	[tilespmem:s16+$0x1C000] =	vst v1;
	s16 =	smov.u32 s15;
	s15 =	sadd.s32 $0x40, s15  }
.Ltmp3:
0x43: {  	(pc) =	sbr.rel @p0 .LBB2_4-.Ltmp3, $2  }
0x44: {  	_ =	sdelay $0x2  }
0x45: {  	s16 =	sshra.s32 s16, $0x2  }
0x46: {  	[tilespmem:s16+$0x1C000] =	vst v1;
	s16 =	simm.s32 $0x1C000  }
0x47: {  	[spmem:s19] =	stream.linear.scatter [tilespmem:s16], [sflag:$0x8], $0x800, $0x38;
	[tilespmem:$0x1F900] =	vst v63  }
0x48: {  	_ =	swait.ge [sflag:s25], $0x800  }
0x49: {  	[sflag:s25] =	ssyncset.done $0x0  }
0x4a: {  	[sflag:s25] =	ssyncadd.s32 $0xFFFFF800  }
0x4b: {  	[spmem:s21] =	stream.linear.scatter [tilespmem:s16], [sflag:$0x8], $0x800, $0x38;
	[tilespmem:$0x1F900] =	vst v63  }
0x4c: {  	_ =	swait.ge [sflag:s25], $0x800  }
0x4d: {  	[sflag:s25] =	ssyncset.done $0x0  }
0x4e: {  	s15 =	rddreg [dreg:$0xc];
	[sflag:s25] =	ssyncadd.s32 $0xFFFFF800  }
0x4f: {  	[spmem:s15] =	stream.linear.scatter [tilespmem:s16], [sflag:$0x8], $0x800, $0x38;
	[tilespmem:$0x1F900] =	vst v63  }
0x50: {  	_ =	swait.ge [sflag:s25], $0x800  }
0x51: {  	[sflag:s25] =	ssyncset.done $0x0  }
0x52: {  	s19 =	rddreg [dreg:$0xd];
	[sflag:s25] =	ssyncadd.s32 $0xFFFFF800  }
0x53: {  	[spmem:s19] =	stream.linear.scatter [tilespmem:s16], [sflag:$0x8], $0x800, $0x38;
	[tilespmem:$0x1F900] =	vst v63  }
0x54: {  	_ =	swait.ge [sflag:s25], $0x800  }
0x55: {  	[sflag:s25] =	ssyncset.done $0x0  }
0x56: {  	s21 =	rddreg [dreg:$0xe];
	[sflag:s25] =	ssyncadd.s32 $0xFFFFF800  }
0x57: {  	[spmem:s21] =	stream.linear.scatter [tilespmem:s16], [sflag:$0x8], $0x800, $0x38;
	[tilespmem:$0x1F900] =	vst v63  }
0x58: {  	_ =	swait.ge [sflag:s25], $0x800  }
0x59: {  	[sflag:s25] =	ssyncset.done $0x0  }
0x5a: {  	s23 =	rddreg [dreg:$0xf];
	[sflag:s25] =	ssyncadd.s32 $0xFFFFF800  }
0x5b: {  	[spmem:s23] =	stream.linear.scatter [tilespmem:s16], [sflag:$0x8], $0x800, $0x38;
	[tilespmem:$0x1F900] =	vst v63  }
0x5c: {  	_ =	swait.ge [sflag:s25], $0x800  }
0x5d: {  	[sflag:s25] =	ssyncset.done $0x0  }
0x5e: {  	s26 =	rddreg [dreg:$0x6];
	[sflag:s25] =	ssyncadd.s32 $0xFFFFF800  }
0x5f: {  	[spmem:s26] =	stream.linear.scatter [tilespmem:s16], [sflag:$0x8], $0x80, $0x38;
	[tilespmem:$0x1F900] =	vst v63  }
0x60: {  	_ =	swait.ge [sflag:s25], $0x80  }
0x61: {  	[sflag:s25] =	ssyncset.done $0x0  }
0x62: {  	s19 =	rddreg [dreg:$0x7];
	[sflag:s25] =	ssyncadd.s32 $0xFFFFFF80  }
0x63: {  	[spmem:s19] =	stream.linear.scatter [tilespmem:s16], [sflag:$0x8], $0x80, $0x38;
	[tilespmem:$0x1F900] =	vst v63  }
0x64: {  	_ =	swait.ge [sflag:s25], $0x80  }
0x65: {  	[sflag:s25] =	ssyncset.done $0x0  }
0x66: {  	s21 =	simm.s32 $0x1;
	[sflag:s25] =	ssyncadd.s32 $0xFFFFFF80  }
0x67: {  	_ =	swait.ge [sflag:s21], $0x18800  }
.Ltmp4:
0x68: {  	[sflag:s21] =	ssyncset.done $0x0;
	(pc) =	sbr.rel .LBB2_6-.Ltmp4, $4  }
0x69: {  	[sflag:s21] =	ssyncadd.s32 $0xFFFE7800  }
0x6a: {  	[bflag:$0x0] =	sbarrier.arrive $0xFFFF  }
0x6b: {  	s26 =	simm.s32 $0x18800;
	s21 =	simm.s32 $0x0;
	s23 =	rddreg [dreg:$0x8]  }
0x6c: {  	[tilespmem:s26], [sflag:$0x2] =	stream.strided.gather [hbm4b:s23+s28], $0x800, s29, s28, $0x38;
	[tilespmem:$0x1F900] =	vst v63  }
.LBB2_14:
0x6d: {  	s21 =	sadd.s32 $0x1, s21  }
0x6e: {  	p0 =	sne.s32 s21, $0x31  }
.Ltmp5:
0x6f: {  	_ = 	snop;
	(pc) =	sbr.rel @!p0 .LBB2_15-.Ltmp5, $1  }
0x70: {  	_ =	sdelay $0x3  }
.LBB2_6:
0x71: {  	s23 =	sshll.u32 s21, $0x1  }
0x72: {  	p0 =	sge.u32 s23, s8  }
.Ltmp6:
0x73: {  	_ = 	snop;
	(pc) =	sbr.rel @p0 .LBB2_10-.Ltmp6, $1  }
0x74: {  	_ =	sdelay $0x3  }
0x75: {  	_ =	swait.ge [sflag:s31], $0x800  }
0x76: {  	p0 =	seq.s32 s21, $0x0;
	[sflag:s31] =	ssyncset.done $0x0  }
0x77: {  	s15 =	simm.s32 @!p0 $0x6;
	[sflag:s31] =	ssyncadd.s32 $0xFFFFF800  }
0x78: {  	_ =	swait.ge @!p0 [sflag:s15], $0x800  }
0x79: {  	[sflag:s15] =	ssyncset.done @!p0 $0x0  }
0x7a: {  	s16 =	sadd.s32 s7, s23;
	[sflag:s15] =	ssyncadd.s32 @!p0 $0xFFFFF800  }
0x7b: {  	s16 =	sshll.u32 s16, $0x9;
	_ =	swait.ge @!p0 [sflag:s15], $0x800  }
0x7c: {  	s26 =	sand.u32 $0x1FFFFE00, s16;
	[sflag:s15] =	ssyncset.done @!p0 $0x0  }
0x7d: {  	s26 =	sadd.s32 s26, s13;
	[sflag:s15] =	ssyncadd.s32 @!p0 $0xFFFFF800;
	p0 =	sge.u32 s23, s11  }
0x7e: {  	[tilespmem:s0], [sflag:$0x4] =	stream.strided.gather [hbm4b:s26+s28], $0x800, s29, s28, $0x38;
	[tilespmem:$0x1F900] =	vst v63  }
0x7f: {  	s15 =	sadd.s32 @!p0 s16, s14  }
0x80: {  	s16 =	simm.s32 @!p0 $0x80;
	s26 =	simm.s32 @!p0 $0x100;
	s19 =	simm.s32 @!p0 $0x19000  }
0x81: {  	[tilespmem:s19], [sflag:$0x3] =	stream.strided.gather @!p0 [hbm4b:s15+s16], $0x800, s26, s16, $0x38;
	[tilespmem:$0x1F900] =	vst v63  }
0x82: {  	s15 =	simm.s32 $0x0  }
0x83: {  	v2 =	vld [tilespmem:s15+$0x18800];
	_ =	sdelay $0x7  }
0x84: {  	s16 =	simm.s32 $0x10;
	s26 =	simm.s32 $0x80;
	v2 =	vld.idx.msk [tilespmem:v2+s4+$0x0], $0xffff  }
.LBB2_8:
0x85: {  	p0 =	sne.s32 s26, $0x1FC0;
	v3 =	vld [tilespmem:s16+$0x18800];
	_ =	sdelay $0x3  }
.Ltmp7:
0x86: {  	(pc) =	sbr.rel @p0 .LBB2_8-.Ltmp7, $2  }
0x87: {  	[tilespmem:s15+$0x1A800] =	vst v2;
	s15 =	smov.u32 s16;
	_ =	sdelay $0x2  }
0x88: {  	s16 =	sshra.s32 s26, $0x2;
	s26 =	sadd.s32 $0x40, s26;
	v2 =	vld.idx.msk [tilespmem:v3+s4+$0x0], $0xffff  }
0x89: {  	v3 =	vld [tilespmem:s16+$0x18800];
	_ =	sdelay $0x6  }
0x8a: {  	[tilespmem:s15+$0x1A800] =	vst v2  }
0x8b: {  	v2 =	vld.idx.msk [tilespmem:v3+s4+$0x0], $0xffff;
	_ =	sdelay $0x4  }
0x8c: {  	[tilespmem:s16+$0x1A800] =	vst v2  }
0x8d: {  	_ =	swait.ge [sflag:s3], $0x800  }
0x8e: {  	[sflag:s3] =	ssyncset.done $0x0  }
0x8f: {  	[sflag:s3] =	ssyncadd.s32 $0xFFFFF800  }
0x90: {  	[spmem:s1] =	stream.indirect.scatter.add.f32 [tilespmem:s5], [sflag:$0x6], $0x1, s0, s30, $0xb8;
	[tilespmem:$0x1F900] =	vst v63  }
0x91: {  	_ = 	snop  }
0x92: {  	[spmem:s2] =	stream.indirect.scatter.add.f32 [tilespmem:s6], [sflag:$0x6], $0x1, s0, s30, $0xb8;
	[tilespmem:$0x1F900] =	vst v63  }
.LBB2_10:
0x93: {  	s15 =	sor.u32 $0x1, s23  }
0x94: {  	p0 =	sge.u32 s15, s8  }
.Ltmp8:
0x95: {  	_ = 	snop;
	(pc) =	sbr.rel @p0 .LBB2_14-.Ltmp8, $1  }
0x96: {  	_ =	sdelay $0x3  }
0x97: {  	_ =	swait.ge [sflag:s9], $0x800  }
0x98: {  	p0 =	seq.s32 s21, $0x0;
	[sflag:s9] =	ssyncset.done $0x0  }
0x99: {  	s16 =	simm.s32 @!p0 $0x7;
	[sflag:s9] =	ssyncadd.s32 $0xFFFFF800  }
0x9a: {  	_ =	swait.ge @!p0 [sflag:s16], $0x800  }
0x9b: {  	[sflag:s16] =	ssyncset.done @!p0 $0x0  }
0x9c: {  	s15 =	sadd.s32 s7, s15;
	[sflag:s16] =	ssyncadd.s32 @!p0 $0xFFFFF800  }
0x9d: {  	s15 =	sshll.u32 s15, $0x9;
	_ =	swait.ge @!p0 [sflag:s16], $0x800  }
0x9e: {  	s19 =	sand.u32 $0x1FFFFE00, s15;
	[sflag:s16] =	ssyncset.done @!p0 $0x0  }
0x9f: {  	s26 =	sadd.s32 s19, s13;
	[sflag:s16] =	ssyncadd.s32 @!p0 $0xFFFFF800;
	p0 =	sge.u32 s23, s12  }
0xa0: {  	[tilespmem:s10], [sflag:$0x5] =	stream.strided.gather [hbm4b:s26+s28], $0x800, s29, s28, $0x38;
	[tilespmem:$0x1F900] =	vst v63  }
0xa1: {  	s15 =	sadd.s32 @!p0 s15, s14  }
0xa2: {  	s16 =	simm.s32 @!p0 $0x80;
	s19 =	simm.s32 @!p0 $0x100;
	s23 =	simm.s32 @!p0 $0x18800  }
0xa3: {  	[tilespmem:s23], [sflag:$0x2] =	stream.strided.gather @!p0 [hbm4b:s15+s16], $0x800, s19, s16, $0x38;
	[tilespmem:$0x1F900] =	vst v63  }
0xa4: {  	s15 =	simm.s32 $0x0  }
0xa5: {  	v2 =	vld [tilespmem:s15+$0x19000];
	_ =	sdelay $0x7  }
0xa6: {  	s16 =	simm.s32 $0x10;
	s23 =	simm.s32 $0x80;
	v2 =	vld.idx.msk [tilespmem:v2+s4+$0x0], $0xffff  }
.LBB2_12:
0xa7: {  	p0 =	sne.s32 s23, $0x1FC0;
	v3 =	vld [tilespmem:s16+$0x19000];
	_ =	sdelay $0x3  }
.Ltmp9:
0xa8: {  	(pc) =	sbr.rel @p0 .LBB2_12-.Ltmp9, $2  }
0xa9: {  	[tilespmem:s15+$0x1B000] =	vst v2;
	s15 =	smov.u32 s16;
	_ =	sdelay $0x2  }
0xaa: {  	s16 =	sshra.s32 s23, $0x2;
	s23 =	sadd.s32 $0x40, s23;
	v2 =	vld.idx.msk [tilespmem:v3+s4+$0x0], $0xffff  }
0xab: {  	v3 =	vld [tilespmem:s16+$0x19000];
	_ =	sdelay $0x6  }
0xac: {  	[tilespmem:s15+$0x1B000] =	vst v2  }
0xad: {  	v2 =	vld.idx.msk [tilespmem:v3+s4+$0x0], $0xffff;
	_ =	sdelay $0x4  }
0xae: {  	[tilespmem:s16+$0x1B000] =	vst v2  }
0xaf: {  	_ =	swait.ge [sflag:s17], $0x800  }
.Ltmp10:
0xb0: {  	[sflag:s17] =	ssyncset.done $0x0;
	(pc) =	sbr.rel .LBB2_14-.Ltmp10, $4  }
0xb1: {  	[sflag:s17] =	ssyncadd.s32 $0xFFFFF800  }
0xb2: {  	[spmem:s1] =	stream.indirect.scatter.add.f32 [tilespmem:s18], [sflag:$0x7], $0x1, s10, s30, $0xb8;
	[tilespmem:$0x1F900] =	vst v63  }
0xb3: {  	_ = 	snop  }
0xb4: {  	[spmem:s2] =	stream.indirect.scatter.add.f32 [tilespmem:s6], [sflag:$0x7], $0x1, s10, s30, $0xb8;
	[tilespmem:$0x1F900] =	vst v63  }
.LBB2_16:
0xb5: {  	_ =	sfence.sel $0x180000  }
0xb6: {  	[bflag:$0x0] =	sbarrier.arrive $0xFFFF  }
0xb7: {  	_ =	strace $0x90000047  }
0xb8: {  	s0 =	stileid.u32;
	[bflag:$0x2] =	sbarrier.arrive $0xFFFF  }
0xb9: {  	p0 =	sne.s32 s0, $0x0;
	s0 =	rddreg [dreg:$0x4]  }
0xba: {  	s0 =	sadd.s32 @!p0 $0x100000, s0  }
0xbb: {  	[sflag:s0] =	ssyncadd.tile.s32 @!p0 $0x1;
	_ =	shalt  }
.Lfunc_end2:
_tile_overlayer_lowered:
.L_overlay_start_2:
0xbc: {  	(tag) =	ssettag $0x2  }
0xbd: {  	s0 =	rddreg [dreg:$0x0];
	s2 =	stileid.u32  }
0xbe: {  	s1 =	rddreg [dreg:$0x1];
	p0 =	sne.s32 s2, $0x0  }
0xbf: {  	s3 =	rddreg [dreg:$0x2];
	[bflag:$0x3] =	sbarrier.arrive $0xFFFF;
	s2 =	simm.s32 @!p0 $0x1C08  }
0xc0: {  	[timem:s3], [sflag:s2] =	dma.local @!p0 [hbm:s0], s1  }
0xc1: {  	s0 =	simm.s32 @!p0 $0x8  }
0xc2: {  	_ =	swait.ge @!p0 [sflag:s0], s1  }
0xc3: {  	s1 =	ssub.s32 @!p0 $0x0, s1;
	[sflag:s0] =	ssyncset.done @!p0 $0x0  }
0xc4: {  	[sflag:s0] =	ssyncadd.s32 @!p0 s1  }
0xc5: {  	[bflag:$0x3] =	sbarrier.arrive $0xFFFF  }
0xc6: {  	_ =	shalt  }

</sc_bundles>
